<compile_context>
chip_gen: v7x
topology: tpu7x:2x2x1
jax: 0.10.2.dev20260603
libtpu: 0.0.44.dev20260713+nightly
codegen_flags: <defaults>
</compile_context>

<pallas_src>
import jax
import jax.numpy as jnp
import numpy as np
from jax.experimental import pallas as pl
from jax.experimental.pallas import tpu as pltpu

K = 8
B, N = 16, 1024


def _batchnorm(x, g, b):
    m = jnp.mean(x, axis=(0, 1), keepdims=True)
    v = jnp.var(x, axis=(0, 1), keepdims=True)
    return (x - m) / jnp.sqrt(v + 1e-5) * g + b


def _mlp_apply(layers, x, norms=None):
    for i, l in enumerate(layers):
        x = x @ l["W"] + l["b"]
        if i < len(layers) - 1:
            if norms is not None:
                x = _batchnorm(x, norms[i]["g"], norms[i]["b"])
            x = jax.nn.relu(x)
    return x


def _pointconv(pc, qry, pts, feats, mask):
    d2 = jnp.sum((qry[:, :, None, :] - pts[:, None, :, :]) ** 2, axis=-1)
    d2 = jnp.where(mask[:, None, :] > 0, d2, 1e10)
    _, idx = jax.lax.top_k(-d2, K)
    gat = jax.vmap(lambda a, i: a[i])
    npos = gat(pts, idx)
    nfeat = gat(feats, idx)
    nmask = gat(mask, idx)
    rel = npos - qry[:, :, None, :]
    w = _mlp_apply(pc["wnet"], rel)
    nfeat = nfeat * nmask[..., None]
    agg = jnp.einsum("bnkc,bnkm->bncm", nfeat, w) / K
    agg = agg.reshape(agg.shape[0], agg.shape[1], -1)
    out = _mlp_apply(pc["final"], agg, pc["fnorm"])
    out = out + feats @ pc["res"]["W"] + pc["res"]["b"]
    return out * mask[..., None]


def _head_kernel(unit_ref, *refs):
    unit = unit_ref[...]
    out = refs[-1]
    x = unit
    for i in range(5):
        W = refs[2 * i][...]
        bb = refs[2 * i + 1][...]
        y = jnp.dot(x.reshape(B * N, x.shape[-1]), W,
                    preferred_element_type=jnp.float32).reshape(B, N, -1) + bb
        if i < 4:
            g = refs[10 + 2 * i][...]
            nb = refs[10 + 2 * i + 1][...]
            m = jnp.mean(y, axis=(0, 1), keepdims=True)
            v = jnp.mean((y - m) ** 2, axis=(0, 1), keepdims=True)
            y = (y - m) / jnp.sqrt(v + 1e-5) * g + nb
            y = jax.nn.relu(y)
            if y.shape[-1] == x.shape[-1]:
                y = y + x
        x = y
    out[...] = x


def _decoders(params, unit):
    heads = [("health", 1), ("shield", 1), ("ori", 7), ("pos", 2)]
    results = []
    for hname, width in heads:
        pn = params[hname]
        args = []
        for l in pn["mlp"]:
            args.append(l["W"])
            args.append(l["b"])
        for nm in pn["norm"]:
            args.append(nm["g"])
            args.append(nm["b"])
        r = pl.pallas_call(
            _head_kernel,
            out_shape=jax.ShapeDtypeStruct((B, N, width), jnp.float32),
        )(unit, *args)
        results.append(r)
    return results


def kernel(pre_frame, mask, params):
    orig = jnp.transpose(pre_frame, (0, 2, 1))
    pts = jnp.transpose(pre_frame[:, 13:15, :], (0, 2, 1))
    in_feats = orig
    pred = None
    for pc in params["pointconvs"]:
        pred = _pointconv(pc, pts, pts, in_feats, mask)
        in_feats = jnp.concatenate([in_feats, pred], axis=-1)
    unit = jnp.concatenate([orig, pred], axis=-1)
    h, s, o, p = _decoders(params, unit)[:4]
    return (
        jnp.squeeze(h, -1),
        jnp.squeeze(s, -1),
        jnp.transpose(o, (0, 2, 1)),
        jnp.transpose(p, (0, 2, 1)),
    )

# --- scband reference (transcript-rebuilt; emitter-appended) ---
"""Pipeline reference for scband-sc2-scene-91293824844263 (READ-ONLY COPY).

The authoritative reference and input builder live on the scoring server;
editing this copy changes nothing except your own understanding.
"""

import jax, jax.numpy as jnp
import numpy as np

FEAT = 16
LATENT = [32, 32, 32, 64, 64]
WH = [16, 16]
CMID = 32
FH = [64, 64]
DH = [32, 32, 64, 64]
K = 8
B, N = 16, 1024


def _linear(key, din, dout):
    k1, _ = jax.random.split(key)
    s = 1.0 / np.sqrt(din)
    return {"W": jax.random.uniform(k1, (din, dout), minval=-s, maxval=s, dtype=jnp.float32), "b": jnp.zeros((dout,), jnp.float32)}


def _mlp(key, dims):
    ks = jax.random.split(key, len(dims) - 1)
    return [_linear(ks[i], dims[i], dims[i + 1]) for i in range(len(dims) - 1)]


def _norms(dims):
    return [{"g": jnp.ones((d,), jnp.float32), "b": jnp.zeros((d,), jnp.float32)} for d in dims]


def setup_inputs(seed: int = 0):
    key = jax.random.key(seed)
    kx, km, kp = jax.random.split(key, 3)
    pre_frame = jax.random.normal(kx, (B, FEAT, N), dtype=jnp.float32)
    mask = jnp.ones((B, N), jnp.float32)
    pcs = []
    c_in = FEAT
    for ls in LATENT:
        kp, k1, k2, k3 = jax.random.split(kp, 4)
        pcs.append({
            "wnet": _mlp(k1, [2] + WH + [CMID]),
            "final": _mlp(k2, [c_in * CMID] + FH + [ls]),
            "fnorm": _norms(FH),
            "res": _linear(k3, c_in, ls),
        })
        c_in += ls
    dec_in = FEAT + LATENT[-1]

    def make_pn(k, out):
        return {"mlp": _mlp(k, [dec_in] + DH + [out]), "norm": _norms(DH)}

    kp, kh, ks_, ko, kq = jax.random.split(kp, 5)
    params = {"pointconvs": pcs, "health": make_pn(kh, 1), "shield": make_pn(ks_, 1), "ori": make_pn(ko, 7), "pos": make_pn(kq, 2)}
    return {"pre_frame": pre_frame, "mask": mask, "params": params}


def _batchnorm(x, g, b):
    m = jnp.mean(x, axis=(0, 1), keepdims=True)
    v = jnp.var(x, axis=(0, 1), keepdims=True)
    return (x - m) / jnp.sqrt(v + 1e-5) * g + b


def _mlp_apply(layers, x, norms=None):
    for i, l in enumerate(layers):
        x = x @ l["W"] + l["b"]
        if i < len(layers) - 1:
            if norms is not None:
                x = _batchnorm(x, norms[i]["g"], norms[i]["b"])
            x = jax.nn.relu(x)
    return x


def _pointconv(pc, qry, pts, feats, mask):
    d2 = jnp.sum((qry[:, :, None, :] - pts[:, None, :, :]) ** 2, axis=-1)
    d2 = jnp.where(mask[:, None, :] > 0, d2, 1e10)
    _, idx = jax.lax.top_k(-d2, K)
    gat = jax.vmap(lambda a, i: a[i])
    npos = gat(pts, idx)
    nfeat = gat(feats, idx)
    nmask = gat(mask, idx)
    rel = npos - qry[:, :, None, :]
    w = _mlp_apply(pc["wnet"], rel)
    nfeat = nfeat * nmask[..., None]
    agg = jnp.einsum("bnkc,bnkm->bncm", nfeat, w) / K
    agg = agg.reshape(agg.shape[0], agg.shape[1], -1)
    out = _mlp_apply(pc["final"], agg, pc["fnorm"])
    out = out + feats @ pc["res"]["W"] + pc["res"]["b"]
    return out * mask[..., None]


def _pointnet(pn, x):
    h = x
    L = pn["mlp"]
    for i, l in enumerate(L):
        y = h @ l["W"] + l["b"]
        if i < len(L) - 1:
            y = _batchnorm(y, pn["norm"][i]["g"], pn["norm"][i]["b"])
            y = jax.nn.relu(y)
            if y.shape[-1] == h.shape[-1]:
                y = y + h
        h = y
    return jnp.transpose(h, (0, 2, 1))


def _forward(pre_frame, mask, params):
    orig = jnp.transpose(pre_frame, (0, 2, 1))
    pts = jnp.transpose(pre_frame[:, 13:15, :], (0, 2, 1))
    in_feats = orig
    pred = None
    for pc in params["pointconvs"]:
        pred = _pointconv(pc, pts, pts, in_feats, mask)
        in_feats = jnp.concatenate([in_feats, pred], axis=-1)
    unit = jnp.concatenate([orig, pred], axis=-1)
    h = _pointnet(params["health"], unit)
    s = _pointnet(params["shield"], unit)
    o = _pointnet(params["ori"], unit)
    p = _pointnet(params["pos"], unit)
    return (jnp.squeeze(h, 1), jnp.squeeze(s, 1), o, p)


def reference(pre_frame, mask, params):
    return _forward(pre_frame, mask, params)

if __name__ == "__main__":
    import jax
    _d = setup_inputs()
    print(jax.jit(kernel)(*tuple(_d.values())))

</pallas_src>

<mosaic_0001>
module attributes {stable_mosaic.version = 14 : i64} {
  func.func @_head_kernel(%arg0: memref<16x1024x80xf32, #tpu.memory_space<vmem>>, %arg1: memref<80x32xf32, #tpu.memory_space<vmem>>, %arg2: memref<32xf32, #tpu.memory_space<vmem>>, %arg3: memref<32x32xf32, #tpu.memory_space<vmem>>, %arg4: memref<32xf32, #tpu.memory_space<vmem>>, %arg5: memref<32x64xf32, #tpu.memory_space<vmem>>, %arg6: memref<64xf32, #tpu.memory_space<vmem>>, %arg7: memref<64x64xf32, #tpu.memory_space<vmem>>, %arg8: memref<64xf32, #tpu.memory_space<vmem>>, %arg9: memref<64x7xf32, #tpu.memory_space<vmem>>, %arg10: memref<7xf32, #tpu.memory_space<vmem>>, %arg11: memref<32xf32, #tpu.memory_space<vmem>>, %arg12: memref<32xf32, #tpu.memory_space<vmem>>, %arg13: memref<32xf32, #tpu.memory_space<vmem>>, %arg14: memref<32xf32, #tpu.memory_space<vmem>>, %arg15: memref<64xf32, #tpu.memory_space<vmem>>, %arg16: memref<64xf32, #tpu.memory_space<vmem>>, %arg17: memref<64xf32, #tpu.memory_space<vmem>>, %arg18: memref<64xf32, #tpu.memory_space<vmem>>, %arg19: memref<16x1024x7xf32, #tpu.memory_space<vmem>>) attributes {dimension_semantics = [], scalar_prefetch = 0 : i64, scratch_operands = 0 : i64, tpu.core_type = #tpu.core_type<tc>} {
    %get3A = arith.constant 0 : index
    %get3A_0 = arith.constant 0 : index
    %get3A_1 = arith.constant 0 : index
    %get3A_2 = vector.load %arg0[%get3A, %get3A_0, %get3A_1] : memref<16x1024x80xf32, #tpu.memory_space<vmem>>, vector<16x1024x80xf32>
    %get3A_3 = arith.constant 0 : index
    %get3A_4 = arith.constant 0 : index
    %get3A_5 = vector.load %arg1[%get3A_3, %get3A_4] : memref<80x32xf32, #tpu.memory_space<vmem>>, vector<80x32xf32>
    %get3A_6 = arith.constant 0 : index
    %get3A_7 = vector.load %arg2[%get3A_6] : memref<32xf32, #tpu.memory_space<vmem>>, vector<32xf32>
    %reshape3A = vector.shape_cast %get3A_2 : vector<16x1024x80xf32> to vector<16384x80xf32>
    %dot_general3A = arith.constant dense<0.000000e+00> : vector<16384x32xf32>
    %dot_general3A_8 = tpu.matmul %reshape3A, %get3A_5, %dot_general3A {dimension_numbers = #tpu.dot_dimension_numbers<[1], [0], [0], [1], [0, 0, 1, 1], [], []>, transpose_lhs_hint = false} : vector<16384x80xf32>, vector<80x32xf32>, vector<16384x32xf32> -> vector<16384x32xf32>
    %reshape3A_9 = vector.shape_cast %dot_general3A_8 : vector<16384x32xf32> to vector<16x1024x32xf32>
    %broadcast_in_dim3A = vector.shape_cast %get3A_7 : vector<32xf32> to vector<1x1x32xf32>
    %add3A = vector.broadcast %broadcast_in_dim3A : vector<1x1x32xf32> to vector<16x1024x32xf32>
    %add3A_10 = arith.addf %reshape3A_9, %add3A : vector<16x1024x32xf32>
    %get3A_11 = arith.constant 0 : index
    %get3A_12 = vector.load %arg11[%get3A_11] : memref<32xf32, #tpu.memory_space<vmem>>, vector<32xf32>
    %get3A_13 = arith.constant 0 : index
    %get3A_14 = vector.load %arg12[%get3A_13] : memref<32xf32, #tpu.memory_space<vmem>>, vector<32xf32>
    %reduce_sum3A = arith.constant dense<0.000000e+00> : vector<32xf32>
    %reduce_sum3A_15 = vector.multi_reduction <add>, %add3A_10, %reduce_sum3A [0, 1] : vector<16x1024x32xf32> to vector<32xf32>
    %broadcast_in_dim3A_16 = vector.shape_cast %reduce_sum3A_15 : vector<32xf32> to vector<1x1x32xf32>
    %div3A = arith.constant 1.638400e+04 : f32
    %div3A_17 = vector.broadcast %div3A : f32 to vector<1x1x32xf32>
    %div3A_18 = arith.divf %broadcast_in_dim3A_16, %div3A_17 : vector<1x1x32xf32>
    %sub3A = vector.broadcast %div3A_18 : vector<1x1x32xf32> to vector<16x1024x32xf32>
    %sub3A_19 = arith.subf %add3A_10, %sub3A : vector<16x1024x32xf32>
    %integer_pow3A = arith.mulf %sub3A_19, %sub3A_19 : vector<16x1024x32xf32>
    %reduce_sum3A_20 = arith.constant dense<0.000000e+00> : vector<32xf32>
    %reduce_sum3A_21 = vector.multi_reduction <add>, %integer_pow3A, %reduce_sum3A_20 [0, 1] : vector<16x1024x32xf32> to vector<32xf32>
    %broadcast_in_dim3A_22 = vector.shape_cast %reduce_sum3A_21 : vector<32xf32> to vector<1x1x32xf32>
    %div3A_23 = arith.constant 1.638400e+04 : f32
    %div3A_24 = vector.broadcast %div3A_23 : f32 to vector<1x1x32xf32>
    %div3A_25 = arith.divf %broadcast_in_dim3A_22, %div3A_24 : vector<1x1x32xf32>
    %sub3A_26 = vector.broadcast %div3A_18 : vector<1x1x32xf32> to vector<16x1024x32xf32>
    %sub3A_27 = arith.subf %add3A_10, %sub3A_26 : vector<16x1024x32xf32>
    %add3A_28 = arith.constant 9.99999974E-6 : f32
    %add3A_29 = vector.broadcast %add3A_28 : f32 to vector<1x1x32xf32>
    %add3A_30 = arith.addf %div3A_25, %add3A_29 : vector<1x1x32xf32>
    %sqrt3A = math.sqrt %add3A_30 : vector<1x1x32xf32>
    %div3A_31 = vector.broadcast %sqrt3A : vector<1x1x32xf32> to vector<16x1024x32xf32>
    %div3A_32 = arith.divf %sub3A_27, %div3A_31 : vector<16x1024x32xf32>
    %broadcast_in_dim3A_33 = vector.shape_cast %get3A_12 : vector<32xf32> to vector<1x1x32xf32>
    %mul3A = vector.broadcast %broadcast_in_dim3A_33 : vector<1x1x32xf32> to vector<16x1024x32xf32>
    %mul3A_34 = arith.mulf %div3A_32, %mul3A : vector<16x1024x32xf32>
    %broadcast_in_dim3A_35 = vector.shape_cast %get3A_14 : vector<32xf32> to vector<1x1x32xf32>
    %add3A_36 = vector.broadcast %broadcast_in_dim3A_35 : vector<1x1x32xf32> to vector<16x1024x32xf32>
    %add3A_37 = arith.addf %mul3A_34, %add3A_36 : vector<16x1024x32xf32>
    %max3A = arith.constant 0.000000e+00 : f32
    %max3A_38 = vector.broadcast %max3A : f32 to vector<16x1024x32xf32>
    %max3A_39 = arith.maximumf %add3A_37, %max3A_38 : vector<16x1024x32xf32>
    %get3A_40 = arith.constant 0 : index
    %get3A_41 = arith.constant 0 : index
    %get3A_42 = vector.load %arg3[%get3A_40, %get3A_41] : memref<32x32xf32, #tpu.memory_space<vmem>>, vector<32x32xf32>
    %get3A_43 = arith.constant 0 : index
    %get3A_44 = vector.load %arg4[%get3A_43] : memref<32xf32, #tpu.memory_space<vmem>>, vector<32xf32>
    %reshape3A_45 = vector.shape_cast %max3A_39 : vector<16x1024x32xf32> to vector<16384x32xf32>
    %dot_general3A_46 = arith.constant dense<0.000000e+00> : vector<16384x32xf32>
    %dot_general3A_47 = tpu.matmul %reshape3A_45, %get3A_42, %dot_general3A_46 {dimension_numbers = #tpu.dot_dimension_numbers<[1], [0], [0], [1], [0, 0, 1, 1], [], []>, transpose_lhs_hint = false} : vector<16384x32xf32>, vector<32x32xf32>, vector<16384x32xf32> -> vector<16384x32xf32>
    %reshape3A_48 = vector.shape_cast %dot_general3A_47 : vector<16384x32xf32> to vector<16x1024x32xf32>
    %broadcast_in_dim3A_49 = vector.shape_cast %get3A_44 : vector<32xf32> to vector<1x1x32xf32>
    %add3A_50 = vector.broadcast %broadcast_in_dim3A_49 : vector<1x1x32xf32> to vector<16x1024x32xf32>
    %add3A_51 = arith.addf %reshape3A_48, %add3A_50 : vector<16x1024x32xf32>
    %get3A_52 = arith.constant 0 : index
    %get3A_53 = vector.load %arg13[%get3A_52] : memref<32xf32, #tpu.memory_space<vmem>>, vector<32xf32>
    %get3A_54 = arith.constant 0 : index
    %get3A_55 = vector.load %arg14[%get3A_54] : memref<32xf32, #tpu.memory_space<vmem>>, vector<32xf32>
    %reduce_sum3A_56 = arith.constant dense<0.000000e+00> : vector<32xf32>
    %reduce_sum3A_57 = vector.multi_reduction <add>, %add3A_51, %reduce_sum3A_56 [0, 1] : vector<16x1024x32xf32> to vector<32xf32>
    %broadcast_in_dim3A_58 = vector.shape_cast %reduce_sum3A_57 : vector<32xf32> to vector<1x1x32xf32>
    %div3A_59 = arith.constant 1.638400e+04 : f32
    %div3A_60 = vector.broadcast %div3A_59 : f32 to vector<1x1x32xf32>
    %div3A_61 = arith.divf %broadcast_in_dim3A_58, %div3A_60 : vector<1x1x32xf32>
    %sub3A_62 = vector.broadcast %div3A_61 : vector<1x1x32xf32> to vector<16x1024x32xf32>
    %sub3A_63 = arith.subf %add3A_51, %sub3A_62 : vector<16x1024x32xf32>
    %integer_pow3A_64 = arith.mulf %sub3A_63, %sub3A_63 : vector<16x1024x32xf32>
    %reduce_sum3A_65 = arith.constant dense<0.000000e+00> : vector<32xf32>
    %reduce_sum3A_66 = vector.multi_reduction <add>, %integer_pow3A_64, %reduce_sum3A_65 [0, 1] : vector<16x1024x32xf32> to vector<32xf32>
    %broadcast_in_dim3A_67 = vector.shape_cast %reduce_sum3A_66 : vector<32xf32> to vector<1x1x32xf32>
    %div3A_68 = arith.constant 1.638400e+04 : f32
    %div3A_69 = vector.broadcast %div3A_68 : f32 to vector<1x1x32xf32>
    %div3A_70 = arith.divf %broadcast_in_dim3A_67, %div3A_69 : vector<1x1x32xf32>
    %sub3A_71 = vector.broadcast %div3A_61 : vector<1x1x32xf32> to vector<16x1024x32xf32>
    %sub3A_72 = arith.subf %add3A_51, %sub3A_71 : vector<16x1024x32xf32>
    %add3A_73 = arith.constant 9.99999974E-6 : f32
    %add3A_74 = vector.broadcast %add3A_73 : f32 to vector<1x1x32xf32>
    %add3A_75 = arith.addf %div3A_70, %add3A_74 : vector<1x1x32xf32>
    %sqrt3A_76 = math.sqrt %add3A_75 : vector<1x1x32xf32>
    %div3A_77 = vector.broadcast %sqrt3A_76 : vector<1x1x32xf32> to vector<16x1024x32xf32>
    %div3A_78 = arith.divf %sub3A_72, %div3A_77 : vector<16x1024x32xf32>
    %broadcast_in_dim3A_79 = vector.shape_cast %get3A_53 : vector<32xf32> to vector<1x1x32xf32>
    %mul3A_80 = vector.broadcast %broadcast_in_dim3A_79 : vector<1x1x32xf32> to vector<16x1024x32xf32>
    %mul3A_81 = arith.mulf %div3A_78, %mul3A_80 : vector<16x1024x32xf32>
    %broadcast_in_dim3A_82 = vector.shape_cast %get3A_55 : vector<32xf32> to vector<1x1x32xf32>
    %add3A_83 = vector.broadcast %broadcast_in_dim3A_82 : vector<1x1x32xf32> to vector<16x1024x32xf32>
    %add3A_84 = arith.addf %mul3A_81, %add3A_83 : vector<16x1024x32xf32>
    %max3A_85 = arith.constant 0.000000e+00 : f32
    %max3A_86 = vector.broadcast %max3A_85 : f32 to vector<16x1024x32xf32>
    %max3A_87 = arith.maximumf %add3A_84, %max3A_86 : vector<16x1024x32xf32>
    %add3A_88 = arith.addf %max3A_87, %max3A_39 : vector<16x1024x32xf32>
    %get3A_89 = arith.constant 0 : index
    %get3A_90 = arith.constant 0 : index
    %get3A_91 = vector.load %arg5[%get3A_89, %get3A_90] : memref<32x64xf32, #tpu.memory_space<vmem>>, vector<32x64xf32>
    %get3A_92 = arith.constant 0 : index
    %get3A_93 = vector.load %arg6[%get3A_92] : memref<64xf32, #tpu.memory_space<vmem>>, vector<64xf32>
    %reshape3A_94 = vector.shape_cast %add3A_88 : vector<16x1024x32xf32> to vector<16384x32xf32>
    %dot_general3A_95 = arith.constant dense<0.000000e+00> : vector<16384x64xf32>
    %dot_general3A_96 = tpu.matmul %reshape3A_94, %get3A_91, %dot_general3A_95 {dimension_numbers = #tpu.dot_dimension_numbers<[1], [0], [0], [1], [0, 0, 1, 1], [], []>, transpose_lhs_hint = false} : vector<16384x32xf32>, vector<32x64xf32>, vector<16384x64xf32> -> vector<16384x64xf32>
    %reshape3A_97 = vector.shape_cast %dot_general3A_96 : vector<16384x64xf32> to vector<16x1024x64xf32>
    %broadcast_in_dim3A_98 = vector.shape_cast %get3A_93 : vector<64xf32> to vector<1x1x64xf32>
    %add3A_99 = vector.broadcast %broadcast_in_dim3A_98 : vector<1x1x64xf32> to vector<16x1024x64xf32>
    %add3A_100 = arith.addf %reshape3A_97, %add3A_99 : vector<16x1024x64xf32>
    %get3A_101 = arith.constant 0 : index
    %get3A_102 = vector.load %arg15[%get3A_101] : memref<64xf32, #tpu.memory_space<vmem>>, vector<64xf32>
    %get3A_103 = arith.constant 0 : index
    %get3A_104 = vector.load %arg16[%get3A_103] : memref<64xf32, #tpu.memory_space<vmem>>, vector<64xf32>
    %reduce_sum3A_105 = arith.constant dense<0.000000e+00> : vector<64xf32>
    %reduce_sum3A_106 = vector.multi_reduction <add>, %add3A_100, %reduce_sum3A_105 [0, 1] : vector<16x1024x64xf32> to vector<64xf32>
    %broadcast_in_dim3A_107 = vector.shape_cast %reduce_sum3A_106 : vector<64xf32> to vector<1x1x64xf32>
    %div3A_108 = arith.constant 1.638400e+04 : f32
    %div3A_109 = vector.broadcast %div3A_108 : f32 to vector<1x1x64xf32>
    %div3A_110 = arith.divf %broadcast_in_dim3A_107, %div3A_109 : vector<1x1x64xf32>
    %sub3A_111 = vector.broadcast %div3A_110 : vector<1x1x64xf32> to vector<16x1024x64xf32>
    %sub3A_112 = arith.subf %add3A_100, %sub3A_111 : vector<16x1024x64xf32>
    %integer_pow3A_113 = arith.mulf %sub3A_112, %sub3A_112 : vector<16x1024x64xf32>
    %reduce_sum3A_114 = arith.constant dense<0.000000e+00> : vector<64xf32>
    %reduce_sum3A_115 = vector.multi_reduction <add>, %integer_pow3A_113, %reduce_sum3A_114 [0, 1] : vector<16x1024x64xf32> to vector<64xf32>
    %broadcast_in_dim3A_116 = vector.shape_cast %reduce_sum3A_115 : vector<64xf32> to vector<1x1x64xf32>
    %div3A_117 = arith.constant 1.638400e+04 : f32
    %div3A_118 = vector.broadcast %div3A_117 : f32 to vector<1x1x64xf32>
    %div3A_119 = arith.divf %broadcast_in_dim3A_116, %div3A_118 : vector<1x1x64xf32>
    %sub3A_120 = vector.broadcast %div3A_110 : vector<1x1x64xf32> to vector<16x1024x64xf32>
    %sub3A_121 = arith.subf %add3A_100, %sub3A_120 : vector<16x1024x64xf32>
    %add3A_122 = arith.constant 9.99999974E-6 : f32
    %add3A_123 = vector.broadcast %add3A_122 : f32 to vector<1x1x64xf32>
    %add3A_124 = arith.addf %div3A_119, %add3A_123 : vector<1x1x64xf32>
    %sqrt3A_125 = math.sqrt %add3A_124 : vector<1x1x64xf32>
    %div3A_126 = vector.broadcast %sqrt3A_125 : vector<1x1x64xf32> to vector<16x1024x64xf32>
    %div3A_127 = arith.divf %sub3A_121, %div3A_126 : vector<16x1024x64xf32>
    %broadcast_in_dim3A_128 = vector.shape_cast %get3A_102 : vector<64xf32> to vector<1x1x64xf32>
    %mul3A_129 = vector.broadcast %broadcast_in_dim3A_128 : vector<1x1x64xf32> to vector<16x1024x64xf32>
    %mul3A_130 = arith.mulf %div3A_127, %mul3A_129 : vector<16x1024x64xf32>
    %broadcast_in_dim3A_131 = vector.shape_cast %get3A_104 : vector<64xf32> to vector<1x1x64xf32>
    %add3A_132 = vector.broadcast %broadcast_in_dim3A_131 : vector<1x1x64xf32> to vector<16x1024x64xf32>
    %add3A_133 = arith.addf %mul3A_130, %add3A_132 : vector<16x1024x64xf32>
    %max3A_134 = arith.constant 0.000000e+00 : f32
    %max3A_135 = vector.broadcast %max3A_134 : f32 to vector<16x1024x64xf32>
    %max3A_136 = arith.maximumf %add3A_133, %max3A_135 : vector<16x1024x64xf32>
    %get3A_137 = arith.constant 0 : index
    %get3A_138 = arith.constant 0 : index
    %get3A_139 = vector.load %arg7[%get3A_137, %get3A_138] : memref<64x64xf32, #tpu.memory_space<vmem>>, vector<64x64xf32>
    %get3A_140 = arith.constant 0 : index
    %get3A_141 = vector.load %arg8[%get3A_140] : memref<64xf32, #tpu.memory_space<vmem>>, vector<64xf32>
    %reshape3A_142 = vector.shape_cast %max3A_136 : vector<16x1024x64xf32> to vector<16384x64xf32>
    %dot_general3A_143 = arith.constant dense<0.000000e+00> : vector<16384x64xf32>
    %dot_general3A_144 = tpu.matmul %reshape3A_142, %get3A_139, %dot_general3A_143 {dimension_numbers = #tpu.dot_dimension_numbers<[1], [0], [0], [1], [0, 0, 1, 1], [], []>, transpose_lhs_hint = false} : vector<16384x64xf32>, vector<64x64xf32>, vector<16384x64xf32> -> vector<16384x64xf32>
    %reshape3A_145 = vector.shape_cast %dot_general3A_144 : vector<16384x64xf32> to vector<16x1024x64xf32>
    %broadcast_in_dim3A_146 = vector.shape_cast %get3A_141 : vector<64xf32> to vector<1x1x64xf32>
    %add3A_147 = vector.broadcast %broadcast_in_dim3A_146 : vector<1x1x64xf32> to vector<16x1024x64xf32>
    %add3A_148 = arith.addf %reshape3A_145, %add3A_147 : vector<16x1024x64xf32>
    %get3A_149 = arith.constant 0 : index
    %get3A_150 = vector.load %arg17[%get3A_149] : memref<64xf32, #tpu.memory_space<vmem>>, vector<64xf32>
    %get3A_151 = arith.constant 0 : index
    %get3A_152 = vector.load %arg18[%get3A_151] : memref<64xf32, #tpu.memory_space<vmem>>, vector<64xf32>
    %reduce_sum3A_153 = arith.constant dense<0.000000e+00> : vector<64xf32>
    %reduce_sum3A_154 = vector.multi_reduction <add>, %add3A_148, %reduce_sum3A_153 [0, 1] : vector<16x1024x64xf32> to vector<64xf32>
    %broadcast_in_dim3A_155 = vector.shape_cast %reduce_sum3A_154 : vector<64xf32> to vector<1x1x64xf32>
    %div3A_156 = arith.constant 1.638400e+04 : f32
    %div3A_157 = vector.broadcast %div3A_156 : f32 to vector<1x1x64xf32>
    %div3A_158 = arith.divf %broadcast_in_dim3A_155, %div3A_157 : vector<1x1x64xf32>
    %sub3A_159 = vector.broadcast %div3A_158 : vector<1x1x64xf32> to vector<16x1024x64xf32>
    %sub3A_160 = arith.subf %add3A_148, %sub3A_159 : vector<16x1024x64xf32>
    %integer_pow3A_161 = arith.mulf %sub3A_160, %sub3A_160 : vector<16x1024x64xf32>
    %reduce_sum3A_162 = arith.constant dense<0.000000e+00> : vector<64xf32>
    %reduce_sum3A_163 = vector.multi_reduction <add>, %integer_pow3A_161, %reduce_sum3A_162 [0, 1] : vector<16x1024x64xf32> to vector<64xf32>
    %broadcast_in_dim3A_164 = vector.shape_cast %reduce_sum3A_163 : vector<64xf32> to vector<1x1x64xf32>
    %div3A_165 = arith.constant 1.638400e+04 : f32
    %div3A_166 = vector.broadcast %div3A_165 : f32 to vector<1x1x64xf32>
    %div3A_167 = arith.divf %broadcast_in_dim3A_164, %div3A_166 : vector<1x1x64xf32>
    %sub3A_168 = vector.broadcast %div3A_158 : vector<1x1x64xf32> to vector<16x1024x64xf32>
    %sub3A_169 = arith.subf %add3A_148, %sub3A_168 : vector<16x1024x64xf32>
    %add3A_170 = arith.constant 9.99999974E-6 : f32
    %add3A_171 = vector.broadcast %add3A_170 : f32 to vector<1x1x64xf32>
    %add3A_172 = arith.addf %div3A_167, %add3A_171 : vector<1x1x64xf32>
    %sqrt3A_173 = math.sqrt %add3A_172 : vector<1x1x64xf32>
    %div3A_174 = vector.broadcast %sqrt3A_173 : vector<1x1x64xf32> to vector<16x1024x64xf32>
    %div3A_175 = arith.divf %sub3A_169, %div3A_174 : vector<16x1024x64xf32>
    %broadcast_in_dim3A_176 = vector.shape_cast %get3A_150 : vector<64xf32> to vector<1x1x64xf32>
    %mul3A_177 = vector.broadcast %broadcast_in_dim3A_176 : vector<1x1x64xf32> to vector<16x1024x64xf32>
    %mul3A_178 = arith.mulf %div3A_175, %mul3A_177 : vector<16x1024x64xf32>
    %broadcast_in_dim3A_179 = vector.shape_cast %get3A_152 : vector<64xf32> to vector<1x1x64xf32>
    %add3A_180 = vector.broadcast %broadcast_in_dim3A_179 : vector<1x1x64xf32> to vector<16x1024x64xf32>
    %add3A_181 = arith.addf %mul3A_178, %add3A_180 : vector<16x1024x64xf32>
    %max3A_182 = arith.constant 0.000000e+00 : f32
    %max3A_183 = vector.broadcast %max3A_182 : f32 to vector<16x1024x64xf32>
    %max3A_184 = arith.maximumf %add3A_181, %max3A_183 : vector<16x1024x64xf32>
    %add3A_185 = arith.addf %max3A_184, %max3A_136 : vector<16x1024x64xf32>
    %get3A_186 = arith.constant 0 : index
    %get3A_187 = arith.constant 0 : index
    %get3A_188 = vector.load %arg9[%get3A_186, %get3A_187] : memref<64x7xf32, #tpu.memory_space<vmem>>, vector<64x7xf32>
    %get3A_189 = arith.constant 0 : index
    %get3A_190 = vector.load %arg10[%get3A_189] : memref<7xf32, #tpu.memory_space<vmem>>, vector<7xf32>
    %reshape3A_191 = vector.shape_cast %add3A_185 : vector<16x1024x64xf32> to vector<16384x64xf32>
    %dot_general3A_192 = arith.constant dense<0.000000e+00> : vector<16384x7xf32>
    %dot_general3A_193 = tpu.matmul %reshape3A_191, %get3A_188, %dot_general3A_192 {dimension_numbers = #tpu.dot_dimension_numbers<[1], [0], [0], [1], [0, 0, 1, 1], [], []>, transpose_lhs_hint = false} : vector<16384x64xf32>, vector<64x7xf32>, vector<16384x7xf32> -> vector<16384x7xf32>
    %reshape3A_194 = vector.shape_cast %dot_general3A_193 : vector<16384x7xf32> to vector<16x1024x7xf32>
    %broadcast_in_dim3A_195 = vector.shape_cast %get3A_190 : vector<7xf32> to vector<1x1x7xf32>
    %add3A_196 = vector.broadcast %broadcast_in_dim3A_195 : vector<1x1x7xf32> to vector<16x1024x7xf32>
    %add3A_197 = arith.addf %reshape3A_194, %add3A_196 : vector<16x1024x7xf32>
    %swap3A = arith.constant 0 : index
    %swap3A_198 = arith.constant 0 : index
    %swap3A_199 = arith.constant 0 : index
    %swap3A_200 = vector.load %arg19[%swap3A, %swap3A_198, %swap3A_199] : memref<16x1024x7xf32, #tpu.memory_space<vmem>>, vector<16x1024x7xf32>
    tpu.vector_store %arg19[%swap3A, %swap3A_198, %swap3A_199], %add3A_197 {strides = array<i32>} : memref<16x1024x7xf32, #tpu.memory_space<vmem>>, vector<16x1024x7xf32>,
    return
  }
}

module attributes {stable_mosaic.version = 14 : i64} {
  func.func @_head_kernel(%arg0: memref<16x1024x80xf32, #tpu.memory_space<vmem>>, %arg1: memref<80x32xf32, #tpu.memory_space<vmem>>, %arg2: memref<32xf32, #tpu.memory_space<vmem>>, %arg3: memref<32x32xf32, #tpu.memory_space<vmem>>, %arg4: memref<32xf32, #tpu.memory_space<vmem>>, %arg5: memref<32x64xf32, #tpu.memory_space<vmem>>, %arg6: memref<64xf32, #tpu.memory_space<vmem>>, %arg7: memref<64x64xf32, #tpu.memory_space<vmem>>, %arg8: memref<64xf32, #tpu.memory_space<vmem>>, %arg9: memref<64x2xf32, #tpu.memory_space<vmem>>, %arg10: memref<2xf32, #tpu.memory_space<vmem>>, %arg11: memref<32xf32, #tpu.memory_space<vmem>>, %arg12: memref<32xf32, #tpu.memory_space<vmem>>, %arg13: memref<32xf32, #tpu.memory_space<vmem>>, %arg14: memref<32xf32, #tpu.memory_space<vmem>>, %arg15: memref<64xf32, #tpu.memory_space<vmem>>, %arg16: memref<64xf32, #tpu.memory_space<vmem>>, %arg17: memref<64xf32, #tpu.memory_space<vmem>>, %arg18: memref<64xf32, #tpu.memory_space<vmem>>, %arg19: memref<16x1024x2xf32, #tpu.memory_space<vmem>>) attributes {dimension_semantics = [], scalar_prefetch = 0 : i64, scratch_operands = 0 : i64, tpu.core_type = #tpu.core_type<tc>} {
    %get3A = arith.constant 0 : index
    %get3A_0 = arith.constant 0 : index
    %get3A_1 = arith.constant 0 : index
    %get3A_2 = vector.load %arg0[%get3A, %get3A_0, %get3A_1] : memref<16x1024x80xf32, #tpu.memory_space<vmem>>, vector<16x1024x80xf32>
    %get3A_3 = arith.constant 0 : index
    %get3A_4 = arith.constant 0 : index
    %get3A_5 = vector.load %arg1[%get3A_3, %get3A_4] : memref<80x32xf32, #tpu.memory_space<vmem>>, vector<80x32xf32>
    %get3A_6 = arith.constant 0 : index
    %get3A_7 = vector.load %arg2[%get3A_6] : memref<32xf32, #tpu.memory_space<vmem>>, vector<32xf32>
    %reshape3A = vector.shape_cast %get3A_2 : vector<16x1024x80xf32> to vector<16384x80xf32>
    %dot_general3A = arith.constant dense<0.000000e+00> : vector<16384x32xf32>
    %dot_general3A_8 = tpu.matmul %reshape3A, %get3A_5, %dot_general3A {dimension_numbers = #tpu.dot_dimension_numbers<[1], [0], [0], [1], [0, 0, 1, 1], [], []>, transpose_lhs_hint = false} : vector<16384x80xf32>, vector<80x32xf32>, vector<16384x32xf32> -> vector<16384x32xf32>
    %reshape3A_9 = vector.shape_cast %dot_general3A_8 : vector<16384x32xf32> to vector<16x1024x32xf32>
    %broadcast_in_dim3A = vector.shape_cast %get3A_7 : vector<32xf32> to vector<1x1x32xf32>
    %add3A = vector.broadcast %broadcast_in_dim3A : vector<1x1x32xf32> to vector<16x1024x32xf32>
    %add3A_10 = arith.addf %reshape3A_9, %add3A : vector<16x1024x32xf32>
    %get3A_11 = arith.constant 0 : index
    %get3A_12 = vector.load %arg11[%get3A_11] : memref<32xf32, #tpu.memory_space<vmem>>, vector<32xf32>
    %get3A_13 = arith.constant 0 : index
    %get3A_14 = vector.load %arg12[%get3A_13] : memref<32xf32, #tpu.memory_space<vmem>>, vector<32xf32>
    %reduce_sum3A = arith.constant dense<0.000000e+00> : vector<32xf32>
    %reduce_sum3A_15 = vector.multi_reduction <add>, %add3A_10, %reduce_sum3A [0, 1] : vector<16x1024x32xf32> to vector<32xf32>
    %broadcast_in_dim3A_16 = vector.shape_cast %reduce_sum3A_15 : vector<32xf32> to vector<1x1x32xf32>
    %div3A = arith.constant 1.638400e+04 : f32
    %div3A_17 = vector.broadcast %div3A : f32 to vector<1x1x32xf32>
    %div3A_18 = arith.divf %broadcast_in_dim3A_16, %div3A_17 : vector<1x1x32xf32>
    %sub3A = vector.broadcast %div3A_18 : vector<1x1x32xf32> to vector<16x1024x32xf32>
    %sub3A_19 = arith.subf %add3A_10, %sub3A : vector<16x1024x32xf32>
    %integer_pow3A = arith.mulf %sub3A_19, %sub3A_19 : vector<16x1024x32xf32>
    %reduce_sum3A_20 = arith.constant dense<0.000000e+00> : vector<32xf32>
    %reduce_sum3A_21 = vector.multi_reduction <add>, %integer_pow3A, %reduce_sum3A_20 [0, 1] : vector<16x1024x32xf32> to vector<32xf32>
    %broadcast_in_dim3A_22 = vector.shape_cast %reduce_sum3A_21 : vector<32xf32> to vector<1x1x32xf32>
    %div3A_23 = arith.constant 1.638400e+04 : f32
    %div3A_24 = vector.broadcast %div3A_23 : f32 to vector<1x1x32xf32>
    %div3A_25 = arith.divf %broadcast_in_dim3A_22, %div3A_24 : vector<1x1x32xf32>
    %sub3A_26 = vector.broadcast %div3A_18 : vector<1x1x32xf32> to vector<16x1024x32xf32>
    %sub3A_27 = arith.subf %add3A_10, %sub3A_26 : vector<16x1024x32xf32>
    %add3A_28 = arith.constant 9.99999974E-6 : f32
    %add3A_29 = vector.broadcast %add3A_28 : f32 to vector<1x1x32xf32>
    %add3A_30 = arith.addf %div3A_25, %add3A_29 : vector<1x1x32xf32>
    %sqrt3A = math.sqrt %add3A_30 : vector<1x1x32xf32>
    %div3A_31 = vector.broadcast %sqrt3A : vector<1x1x32xf32> to vector<16x1024x32xf32>
    %div3A_32 = arith.divf %sub3A_27, %div3A_31 : vector<16x1024x32xf32>
    %broadcast_in_dim3A_33 = vector.shape_cast %get3A_12 : vector<32xf32> to vector<1x1x32xf32>
    %mul3A = vector.broadcast %broadcast_in_dim3A_33 : vector<1x1x32xf32> to vector<16x1024x32xf32>
    %mul3A_34 = arith.mulf %div3A_32, %mul3A : vector<16x1024x32xf32>
    %broadcast_in_dim3A_35 = vector.shape_cast %get3A_14 : vector<32xf32> to vector<1x1x32xf32>
    %add3A_36 = vector.broadcast %broadcast_in_dim3A_35 : vector<1x1x32xf32> to vector<16x1024x32xf32>
    %add3A_37 = arith.addf %mul3A_34, %add3A_36 : vector<16x1024x32xf32>
    %max3A = arith.constant 0.000000e+00 : f32
    %max3A_38 = vector.broadcast %max3A : f32 to vector<16x1024x32xf32>
    %max3A_39 = arith.maximumf %add3A_37, %max3A_38 : vector<16x1024x32xf32>
    %get3A_40 = arith.constant 0 : index
    %get3A_41 = arith.constant 0 : index
    %get3A_42 = vector.load %arg3[%get3A_40, %get3A_41] : memref<32x32xf32, #tpu.memory_space<vmem>>, vector<32x32xf32>
    %get3A_43 = arith.constant 0 : index
    %get3A_44 = vector.load %arg4[%get3A_43] : memref<32xf32, #tpu.memory_space<vmem>>, vector<32xf32>
    %reshape3A_45 = vector.shape_cast %max3A_39 : vector<16x1024x32xf32> to vector<16384x32xf32>
    %dot_general3A_46 = arith.constant dense<0.000000e+00> : vector<16384x32xf32>
    %dot_general3A_47 = tpu.matmul %reshape3A_45, %get3A_42, %dot_general3A_46 {dimension_numbers = #tpu.dot_dimension_numbers<[1], [0], [0], [1], [0, 0, 1, 1], [], []>, transpose_lhs_hint = false} : vector<16384x32xf32>, vector<32x32xf32>, vector<16384x32xf32> -> vector<16384x32xf32>
    %reshape3A_48 = vector.shape_cast %dot_general3A_47 : vector<16384x32xf32> to vector<16x1024x32xf32>
    %broadcast_in_dim3A_49 = vector.shape_cast %get3A_44 : vector<32xf32> to vector<1x1x32xf32>
    %add3A_50 = vector.broadcast %broadcast_in_dim3A_49 : vector<1x1x32xf32> to vector<16x1024x32xf32>
    %add3A_51 = arith.addf %reshape3A_48, %add3A_50 : vector<16x1024x32xf32>
    %get3A_52 = arith.constant 0 : index
    %get3A_53 = vector.load %arg13[%get3A_52] : memref<32xf32, #tpu.memory_space<vmem>>, vector<32xf32>
    %get3A_54 = arith.constant 0 : index
    %get3A_55 = vector.load %arg14[%get3A_54] : memref<32xf32, #tpu.memory_space<vmem>>, vector<32xf32>
    %reduce_sum3A_56 = arith.constant dense<0.000000e+00> : vector<32xf32>
    %reduce_sum3A_57 = vector.multi_reduction <add>, %add3A_51, %reduce_sum3A_56 [0, 1] : vector<16x1024x32xf32> to vector<32xf32>
    %broadcast_in_dim3A_58 = vector.shape_cast %reduce_sum3A_57 : vector<32xf32> to vector<1x1x32xf32>
    %div3A_59 = arith.constant 1.638400e+04 : f32
    %div3A_60 = vector.broadcast %div3A_59 : f32 to vector<1x1x32xf32>
    %div3A_61 = arith.divf %broadcast_in_dim3A_58, %div3A_60 : vector<1x1x32xf32>
    %sub3A_62 = vector.broadcast %div3A_61 : vector<1x1x32xf32> to vector<16x1024x32xf32>
    %sub3A_63 = arith.subf %add3A_51, %sub3A_62 : vector<16x1024x32xf32>
    %integer_pow3A_64 = arith.mulf %sub3A_63, %sub3A_63 : vector<16x1024x32xf32>
    %reduce_sum3A_65 = arith.constant dense<0.000000e+00> : vector<32xf32>
    %reduce_sum3A_66 = vector.multi_reduction <add>, %integer_pow3A_64, %reduce_sum3A_65 [0, 1] : vector<16x1024x32xf32> to vector<32xf32>
    %broadcast_in_dim3A_67 = vector.shape_cast %reduce_sum3A_66 : vector<32xf32> to vector<1x1x32xf32>
    %div3A_68 = arith.constant 1.638400e+04 : f32
    %div3A_69 = vector.broadcast %div3A_68 : f32 to vector<1x1x32xf32>
    %div3A_70 = arith.divf %broadcast_in_dim3A_67, %div3A_69 : vector<1x1x32xf32>
    %sub3A_71 = vector.broadcast %div3A_61 : vector<1x1x32xf32> to vector<16x1024x32xf32>
    %sub3A_72 = arith.subf %add3A_51, %sub3A_71 : vector<16x1024x32xf32>
    %add3A_73 = arith.constant 9.99999974E-6 : f32
    %add3A_74 = vector.broadcast %add3A_73 : f32 to vector<1x1x32xf32>
    %add3A_75 = arith.addf %div3A_70, %add3A_74 : vector<1x1x32xf32>
    %sqrt3A_76 = math.sqrt %add3A_75 : vector<1x1x32xf32>
    %div3A_77 = vector.broadcast %sqrt3A_76 : vector<1x1x32xf32> to vector<16x1024x32xf32>
    %div3A_78 = arith.divf %sub3A_72, %div3A_77 : vector<16x1024x32xf32>
    %broadcast_in_dim3A_79 = vector.shape_cast %get3A_53 : vector<32xf32> to vector<1x1x32xf32>
    %mul3A_80 = vector.broadcast %broadcast_in_dim3A_79 : vector<1x1x32xf32> to vector<16x1024x32xf32>
    %mul3A_81 = arith.mulf %div3A_78, %mul3A_80 : vector<16x1024x32xf32>
    %broadcast_in_dim3A_82 = vector.shape_cast %get3A_55 : vector<32xf32> to vector<1x1x32xf32>
    %add3A_83 = vector.broadcast %broadcast_in_dim3A_82 : vector<1x1x32xf32> to vector<16x1024x32xf32>
    %add3A_84 = arith.addf %mul3A_81, %add3A_83 : vector<16x1024x32xf32>
    %max3A_85 = arith.constant 0.000000e+00 : f32
    %max3A_86 = vector.broadcast %max3A_85 : f32 to vector<16x1024x32xf32>
    %max3A_87 = arith.maximumf %add3A_84, %max3A_86 : vector<16x1024x32xf32>
    %add3A_88 = arith.addf %max3A_87, %max3A_39 : vector<16x1024x32xf32>
    %get3A_89 = arith.constant 0 : index
    %get3A_90 = arith.constant 0 : index
    %get3A_91 = vector.load %arg5[%get3A_89, %get3A_90] : memref<32x64xf32, #tpu.memory_space<vmem>>, vector<32x64xf32>
    %get3A_92 = arith.constant 0 : index
    %get3A_93 = vector.load %arg6[%get3A_92] : memref<64xf32, #tpu.memory_space<vmem>>, vector<64xf32>
    %reshape3A_94 = vector.shape_cast %add3A_88 : vector<16x1024x32xf32> to vector<16384x32xf32>
    %dot_general3A_95 = arith.constant dense<0.000000e+00> : vector<16384x64xf32>
    %dot_general3A_96 = tpu.matmul %reshape3A_94, %get3A_91, %dot_general3A_95 {dimension_numbers = #tpu.dot_dimension_numbers<[1], [0], [0], [1], [0, 0, 1, 1], [], []>, transpose_lhs_hint = false} : vector<16384x32xf32>, vector<32x64xf32>, vector<16384x64xf32> -> vector<16384x64xf32>
    %reshape3A_97 = vector.shape_cast %dot_general3A_96 : vector<16384x64xf32> to vector<16x1024x64xf32>
    %broadcast_in_dim3A_98 = vector.shape_cast %get3A_93 : vector<64xf32> to vector<1x1x64xf32>
    %add3A_99 = vector.broadcast %broadcast_in_dim3A_98 : vector<1x1x64xf32> to vector<16x1024x64xf32>
    %add3A_100 = arith.addf %reshape3A_97, %add3A_99 : vector<16x1024x64xf32>
    %get3A_101 = arith.constant 0 : index
    %get3A_102 = vector.load %arg15[%get3A_101] : memref<64xf32, #tpu.memory_space<vmem>>, vector<64xf32>
    %get3A_103 = arith.constant 0 : index
    %get3A_104 = vector.load %arg16[%get3A_103] : memref<64xf32, #tpu.memory_space<vmem>>, vector<64xf32>
    %reduce_sum3A_105 = arith.constant dense<0.000000e+00> : vector<64xf32>
    %reduce_sum3A_106 = vector.multi_reduction <add>, %add3A_100, %reduce_sum3A_105 [0, 1] : vector<16x1024x64xf32> to vector<64xf32>
    %broadcast_in_dim3A_107 = vector.shape_cast %reduce_sum3A_106 : vector<64xf32> to vector<1x1x64xf32>
    %div3A_108 = arith.constant 1.638400e+04 : f32
    %div3A_109 = vector.broadcast %div3A_108 : f32 to vector<1x1x64xf32>
    %div3A_110 = arith.divf %broadcast_in_dim3A_107, %div3A_109 : vector<1x1x64xf32>
    %sub3A_111 = vector.broadcast %div3A_110 : vector<1x1x64xf32> to vector<16x1024x64xf32>
    %sub3A_112 = arith.subf %add3A_100, %sub3A_111 : vector<16x1024x64xf32>
    %integer_pow3A_113 = arith.mulf %sub3A_112, %sub3A_112 : vector<16x1024x64xf32>
    %reduce_sum3A_114 = arith.constant dense<0.000000e+00> : vector<64xf32>
    %reduce_sum3A_115 = vector.multi_reduction <add>, %integer_pow3A_113, %reduce_sum3A_114 [0, 1] : vector<16x1024x64xf32> to vector<64xf32>
    %broadcast_in_dim3A_116 = vector.shape_cast %reduce_sum3A_115 : vector<64xf32> to vector<1x1x64xf32>
    %div3A_117 = arith.constant 1.638400e+04 : f32
    %div3A_118 = vector.broadcast %div3A_117 : f32 to vector<1x1x64xf32>
    %div3A_119 = arith.divf %broadcast_in_dim3A_116, %div3A_118 : vector<1x1x64xf32>
    %sub3A_120 = vector.broadcast %div3A_110 : vector<1x1x64xf32> to vector<16x1024x64xf32>
    %sub3A_121 = arith.subf %add3A_100, %sub3A_120 : vector<16x1024x64xf32>
    %add3A_122 = arith.constant 9.99999974E-6 : f32
    %add3A_123 = vector.broadcast %add3A_122 : f32 to vector<1x1x64xf32>
    %add3A_124 = arith.addf %div3A_119, %add3A_123 : vector<1x1x64xf32>
    %sqrt3A_125 = math.sqrt %add3A_124 : vector<1x1x64xf32>
    %div3A_126 = vector.broadcast %sqrt3A_125 : vector<1x1x64xf32> to vector<16x1024x64xf32>
    %div3A_127 = arith.divf %sub3A_121, %div3A_126 : vector<16x1024x64xf32>
    %broadcast_in_dim3A_128 = vector.shape_cast %get3A_102 : vector<64xf32> to vector<1x1x64xf32>
    %mul3A_129 = vector.broadcast %broadcast_in_dim3A_128 : vector<1x1x64xf32> to vector<16x1024x64xf32>
    %mul3A_130 = arith.mulf %div3A_127, %mul3A_129 : vector<16x1024x64xf32>
    %broadcast_in_dim3A_131 = vector.shape_cast %get3A_104 : vector<64xf32> to vector<1x1x64xf32>
    %add3A_132 = vector.broadcast %broadcast_in_dim3A_131 : vector<1x1x64xf32> to vector<16x1024x64xf32>
    %add3A_133 = arith.addf %mul3A_130, %add3A_132 : vector<16x1024x64xf32>
    %max3A_134 = arith.constant 0.000000e+00 : f32
    %max3A_135 = vector.broadcast %max3A_134 : f32 to vector<16x1024x64xf32>
    %max3A_136 = arith.maximumf %add3A_133, %max3A_135 : vector<16x1024x64xf32>
    %get3A_137 = arith.constant 0 : index
    %get3A_138 = arith.constant 0 : index
    %get3A_139 = vector.load %arg7[%get3A_137, %get3A_138] : memref<64x64xf32, #tpu.memory_space<vmem>>, vector<64x64xf32>
    %get3A_140 = arith.constant 0 : index
    %get3A_141 = vector.load %arg8[%get3A_140] : memref<64xf32, #tpu.memory_space<vmem>>, vector<64xf32>
    %reshape3A_142 = vector.shape_cast %max3A_136 : vector<16x1024x64xf32> to vector<16384x64xf32>
    %dot_general3A_143 = arith.constant dense<0.000000e+00> : vector<16384x64xf32>
    %dot_general3A_144 = tpu.matmul %reshape3A_142, %get3A_139, %dot_general3A_143 {dimension_numbers = #tpu.dot_dimension_numbers<[1], [0], [0], [1], [0, 0, 1, 1], [], []>, transpose_lhs_hint = false} : vector<16384x64xf32>, vector<64x64xf32>, vector<16384x64xf32> -> vector<16384x64xf32>
    %reshape3A_145 = vector.shape_cast %dot_general3A_144 : vector<16384x64xf32> to vector<16x1024x64xf32>
    %broadcast_in_dim3A_146 = vector.shape_cast %get3A_141 : vector<64xf32> to vector<1x1x64xf32>
    %add3A_147 = vector.broadcast %broadcast_in_dim3A_146 : vector<1x1x64xf32> to vector<16x1024x64xf32>
    %add3A_148 = arith.addf %reshape3A_145, %add3A_147 : vector<16x1024x64xf32>
    %get3A_149 = arith.constant 0 : index
    %get3A_150 = vector.load %arg17[%get3A_149] : memref<64xf32, #tpu.memory_space<vmem>>, vector<64xf32>
    %get3A_151 = arith.constant 0 : index
    %get3A_152 = vector.load %arg18[%get3A_151] : memref<64xf32, #tpu.memory_space<vmem>>, vector<64xf32>
    %reduce_sum3A_153 = arith.constant dense<0.000000e+00> : vector<64xf32>
    %reduce_sum3A_154 = vector.multi_reduction <add>, %add3A_148, %reduce_sum3A_153 [0, 1] : vector<16x1024x64xf32> to vector<64xf32>
    %broadcast_in_dim3A_155 = vector.shape_cast %reduce_sum3A_154 : vector<64xf32> to vector<1x1x64xf32>
    %div3A_156 = arith.constant 1.638400e+04 : f32
    %div3A_157 = vector.broadcast %div3A_156 : f32 to vector<1x1x64xf32>
    %div3A_158 = arith.divf %broadcast_in_dim3A_155, %div3A_157 : vector<1x1x64xf32>
    %sub3A_159 = vector.broadcast %div3A_158 : vector<1x1x64xf32> to vector<16x1024x64xf32>
    %sub3A_160 = arith.subf %add3A_148, %sub3A_159 : vector<16x1024x64xf32>
    %integer_pow3A_161 = arith.mulf %sub3A_160, %sub3A_160 : vector<16x1024x64xf32>
    %reduce_sum3A_162 = arith.constant dense<0.000000e+00> : vector<64xf32>
    %reduce_sum3A_163 = vector.multi_reduction <add>, %integer_pow3A_161, %reduce_sum3A_162 [0, 1] : vector<16x1024x64xf32> to vector<64xf32>
    %broadcast_in_dim3A_164 = vector.shape_cast %reduce_sum3A_163 : vector<64xf32> to vector<1x1x64xf32>
    %div3A_165 = arith.constant 1.638400e+04 : f32
    %div3A_166 = vector.broadcast %div3A_165 : f32 to vector<1x1x64xf32>
    %div3A_167 = arith.divf %broadcast_in_dim3A_164, %div3A_166 : vector<1x1x64xf32>
    %sub3A_168 = vector.broadcast %div3A_158 : vector<1x1x64xf32> to vector<16x1024x64xf32>
    %sub3A_169 = arith.subf %add3A_148, %sub3A_168 : vector<16x1024x64xf32>
    %add3A_170 = arith.constant 9.99999974E-6 : f32
    %add3A_171 = vector.broadcast %add3A_170 : f32 to vector<1x1x64xf32>
    %add3A_172 = arith.addf %div3A_167, %add3A_171 : vector<1x1x64xf32>
    %sqrt3A_173 = math.sqrt %add3A_172 : vector<1x1x64xf32>
    %div3A_174 = vector.broadcast %sqrt3A_173 : vector<1x1x64xf32> to vector<16x1024x64xf32>
    %div3A_175 = arith.divf %sub3A_169, %div3A_174 : vector<16x1024x64xf32>
    %broadcast_in_dim3A_176 = vector.shape_cast %get3A_150 : vector<64xf32> to vector<1x1x64xf32>
    %mul3A_177 = vector.broadcast %broadcast_in_dim3A_176 : vector<1x1x64xf32> to vector<16x1024x64xf32>
    %mul3A_178 = arith.mulf %div3A_175, %mul3A_177 : vector<16x1024x64xf32>
    %broadcast_in_dim3A_179 = vector.shape_cast %get3A_152 : vector<64xf32> to vector<1x1x64xf32>
    %add3A_180 = vector.broadcast %broadcast_in_dim3A_179 : vector<1x1x64xf32> to vector<16x1024x64xf32>
    %add3A_181 = arith.addf %mul3A_178, %add3A_180 : vector<16x1024x64xf32>
    %max3A_182 = arith.constant 0.000000e+00 : f32
    %max3A_183 = vector.broadcast %max3A_182 : f32 to vector<16x1024x64xf32>
    %max3A_184 = arith.maximumf %add3A_181, %max3A_183 : vector<16x1024x64xf32>
    %add3A_185 = arith.addf %max3A_184, %max3A_136 : vector<16x1024x64xf32>
    %get3A_186 = arith.constant 0 : index
    %get3A_187 = arith.constant 0 : index
    %get3A_188 = vector.load %arg9[%get3A_186, %get3A_187] : memref<64x2xf32, #tpu.memory_space<vmem>>, vector<64x2xf32>
    %get3A_189 = arith.constant 0 : index
    %get3A_190 = vector.load %arg10[%get3A_189] : memref<2xf32, #tpu.memory_space<vmem>>, vector<2xf32>
    %reshape3A_191 = vector.shape_cast %add3A_185 : vector<16x1024x64xf32> to vector<16384x64xf32>
    %dot_general3A_192 = arith.constant dense<0.000000e+00> : vector<16384x2xf32>
    %dot_general3A_193 = tpu.matmul %reshape3A_191, %get3A_188, %dot_general3A_192 {dimension_numbers = #tpu.dot_dimension_numbers<[1], [0], [0], [1], [0, 0, 1, 1], [], []>, transpose_lhs_hint = false} : vector<16384x64xf32>, vector<64x2xf32>, vector<16384x2xf32> -> vector<16384x2xf32>
    %reshape3A_194 = vector.shape_cast %dot_general3A_193 : vector<16384x2xf32> to vector<16x1024x2xf32>
    %broadcast_in_dim3A_195 = vector.shape_cast %get3A_190 : vector<2xf32> to vector<1x1x2xf32>
    %add3A_196 = vector.broadcast %broadcast_in_dim3A_195 : vector<1x1x2xf32> to vector<16x1024x2xf32>
    %add3A_197 = arith.addf %reshape3A_194, %add3A_196 : vector<16x1024x2xf32>
    %swap3A = arith.constant 0 : index
    %swap3A_198 = arith.constant 0 : index
    %swap3A_199 = arith.constant 0 : index
    %swap3A_200 = vector.load %arg19[%swap3A, %swap3A_198, %swap3A_199] : memref<16x1024x2xf32, #tpu.memory_space<vmem>>, vector<16x1024x2xf32>
    tpu.vector_store %arg19[%swap3A, %swap3A_198, %swap3A_199], %add3A_197 {strides = array<i32>} : memref<16x1024x2xf32, #tpu.memory_space<vmem>>, vector<16x1024x2xf32>,
    return
  }
}

module attributes {stable_mosaic.version = 14 : i64} {
  func.func @_head_kernel(%arg0: memref<16x1024x80xf32, #tpu.memory_space<vmem>>, %arg1: memref<80x32xf32, #tpu.memory_space<vmem>>, %arg2: memref<32xf32, #tpu.memory_space<vmem>>, %arg3: memref<32x32xf32, #tpu.memory_space<vmem>>, %arg4: memref<32xf32, #tpu.memory_space<vmem>>, %arg5: memref<32x64xf32, #tpu.memory_space<vmem>>, %arg6: memref<64xf32, #tpu.memory_space<vmem>>, %arg7: memref<64x64xf32, #tpu.memory_space<vmem>>, %arg8: memref<64xf32, #tpu.memory_space<vmem>>, %arg9: memref<64x1xf32, #tpu.memory_space<vmem>>, %arg10: memref<1xf32, #tpu.memory_space<vmem>>, %arg11: memref<32xf32, #tpu.memory_space<vmem>>, %arg12: memref<32xf32, #tpu.memory_space<vmem>>, %arg13: memref<32xf32, #tpu.memory_space<vmem>>, %arg14: memref<32xf32, #tpu.memory_space<vmem>>, %arg15: memref<64xf32, #tpu.memory_space<vmem>>, %arg16: memref<64xf32, #tpu.memory_space<vmem>>, %arg17: memref<64xf32, #tpu.memory_space<vmem>>, %arg18: memref<64xf32, #tpu.memory_space<vmem>>, %arg19: memref<16x1024x1xf32, #tpu.memory_space<vmem>>) attributes {dimension_semantics = [], scalar_prefetch = 0 : i64, scratch_operands = 0 : i64, tpu.core_type = #tpu.core_type<tc>} {
    %get3A = arith.constant 0 : index
    %get3A_0 = arith.constant 0 : index
    %get3A_1 = arith.constant 0 : index
    %get3A_2 = vector.load %arg0[%get3A, %get3A_0, %get3A_1] : memref<16x1024x80xf32, #tpu.memory_space<vmem>>, vector<16x1024x80xf32>
    %get3A_3 = arith.constant 0 : index
    %get3A_4 = arith.constant 0 : index
    %get3A_5 = vector.load %arg1[%get3A_3, %get3A_4] : memref<80x32xf32, #tpu.memory_space<vmem>>, vector<80x32xf32>
    %get3A_6 = arith.constant 0 : index
    %get3A_7 = vector.load %arg2[%get3A_6] : memref<32xf32, #tpu.memory_space<vmem>>, vector<32xf32>
    %reshape3A = vector.shape_cast %get3A_2 : vector<16x1024x80xf32> to vector<16384x80xf32>
    %dot_general3A = arith.constant dense<0.000000e+00> : vector<16384x32xf32>
    %dot_general3A_8 = tpu.matmul %reshape3A, %get3A_5, %dot_general3A {dimension_numbers = #tpu.dot_dimension_numbers<[1], [0], [0], [1], [0, 0, 1, 1], [], []>, transpose_lhs_hint = false} : vector<16384x80xf32>, vector<80x32xf32>, vector<16384x32xf32> -> vector<16384x32xf32>
    %reshape3A_9 = vector.shape_cast %dot_general3A_8 : vector<16384x32xf32> to vector<16x1024x32xf32>
    %broadcast_in_dim3A = vector.shape_cast %get3A_7 : vector<32xf32> to vector<1x1x32xf32>
    %add3A = vector.broadcast %broadcast_in_dim3A : vector<1x1x32xf32> to vector<16x1024x32xf32>
    %add3A_10 = arith.addf %reshape3A_9, %add3A : vector<16x1024x32xf32>
    %get3A_11 = arith.constant 0 : index
    %get3A_12 = vector.load %arg11[%get3A_11] : memref<32xf32, #tpu.memory_space<vmem>>, vector<32xf32>
    %get3A_13 = arith.constant 0 : index
    %get3A_14 = vector.load %arg12[%get3A_13] : memref<32xf32, #tpu.memory_space<vmem>>, vector<32xf32>
    %reduce_sum3A = arith.constant dense<0.000000e+00> : vector<32xf32>
    %reduce_sum3A_15 = vector.multi_reduction <add>, %add3A_10, %reduce_sum3A [0, 1] : vector<16x1024x32xf32> to vector<32xf32>
    %broadcast_in_dim3A_16 = vector.shape_cast %reduce_sum3A_15 : vector<32xf32> to vector<1x1x32xf32>
    %div3A = arith.constant 1.638400e+04 : f32
    %div3A_17 = vector.broadcast %div3A : f32 to vector<1x1x32xf32>
    %div3A_18 = arith.divf %broadcast_in_dim3A_16, %div3A_17 : vector<1x1x32xf32>
    %sub3A = vector.broadcast %div3A_18 : vector<1x1x32xf32> to vector<16x1024x32xf32>
    %sub3A_19 = arith.subf %add3A_10, %sub3A : vector<16x1024x32xf32>
    %integer_pow3A = arith.mulf %sub3A_19, %sub3A_19 : vector<16x1024x32xf32>
    %reduce_sum3A_20 = arith.constant dense<0.000000e+00> : vector<32xf32>
    %reduce_sum3A_21 = vector.multi_reduction <add>, %integer_pow3A, %reduce_sum3A_20 [0, 1] : vector<16x1024x32xf32> to vector<32xf32>
    %broadcast_in_dim3A_22 = vector.shape_cast %reduce_sum3A_21 : vector<32xf32> to vector<1x1x32xf32>
    %div3A_23 = arith.constant 1.638400e+04 : f32
    %div3A_24 = vector.broadcast %div3A_23 : f32 to vector<1x1x32xf32>
    %div3A_25 = arith.divf %broadcast_in_dim3A_22, %div3A_24 : vector<1x1x32xf32>
    %sub3A_26 = vector.broadcast %div3A_18 : vector<1x1x32xf32> to vector<16x1024x32xf32>
    %sub3A_27 = arith.subf %add3A_10, %sub3A_26 : vector<16x1024x32xf32>
    %add3A_28 = arith.constant 9.99999974E-6 : f32
    %add3A_29 = vector.broadcast %add3A_28 : f32 to vector<1x1x32xf32>
    %add3A_30 = arith.addf %div3A_25, %add3A_29 : vector<1x1x32xf32>
    %sqrt3A = math.sqrt %add3A_30 : vector<1x1x32xf32>
    %div3A_31 = vector.broadcast %sqrt3A : vector<1x1x32xf32> to vector<16x1024x32xf32>
    %div3A_32 = arith.divf %sub3A_27, %div3A_31 : vector<16x1024x32xf32>
    %broadcast_in_dim3A_33 = vector.shape_cast %get3A_12 : vector<32xf32> to vector<1x1x32xf32>
    %mul3A = vector.broadcast %broadcast_in_dim3A_33 : vector<1x1x32xf32> to vector<16x1024x32xf32>
    %mul3A_34 = arith.mulf %div3A_32, %mul3A : vector<16x1024x32xf32>
    %broadcast_in_dim3A_35 = vector.shape_cast %get3A_14 : vector<32xf32> to vector<1x1x32xf32>
    %add3A_36 = vector.broadcast %broadcast_in_dim3A_35 : vector<1x1x32xf32> to vector<16x1024x32xf32>
    %add3A_37 = arith.addf %mul3A_34, %add3A_36 : vector<16x1024x32xf32>
    %max3A = arith.constant 0.000000e+00 : f32
    %max3A_38 = vector.broadcast %max3A : f32 to vector<16x1024x32xf32>
    %max3A_39 = arith.maximumf %add3A_37, %max3A_38 : vector<16x1024x32xf32>
    %get3A_40 = arith.constant 0 : index
    %get3A_41 = arith.constant 0 : index
    %get3A_42 = vector.load %arg3[%get3A_40, %get3A_41] : memref<32x32xf32, #tpu.memory_space<vmem>>, vector<32x32xf32>
    %get3A_43 = arith.constant 0 : index
    %get3A_44 = vector.load %arg4[%get3A_43] : memref<32xf32, #tpu.memory_space<vmem>>, vector<32xf32>
    %reshape3A_45 = vector.shape_cast %max3A_39 : vector<16x1024x32xf32> to vector<16384x32xf32>
    %dot_general3A_46 = arith.constant dense<0.000000e+00> : vector<16384x32xf32>
    %dot_general3A_47 = tpu.matmul %reshape3A_45, %get3A_42, %dot_general3A_46 {dimension_numbers = #tpu.dot_dimension_numbers<[1], [0], [0], [1], [0, 0, 1, 1], [], []>, transpose_lhs_hint = false} : vector<16384x32xf32>, vector<32x32xf32>, vector<16384x32xf32> -> vector<16384x32xf32>
    %reshape3A_48 = vector.shape_cast %dot_general3A_47 : vector<16384x32xf32> to vector<16x1024x32xf32>
    %broadcast_in_dim3A_49 = vector.shape_cast %get3A_44 : vector<32xf32> to vector<1x1x32xf32>
    %add3A_50 = vector.broadcast %broadcast_in_dim3A_49 : vector<1x1x32xf32> to vector<16x1024x32xf32>
    %add3A_51 = arith.addf %reshape3A_48, %add3A_50 : vector<16x1024x32xf32>
    %get3A_52 = arith.constant 0 : index
    %get3A_53 = vector.load %arg13[%get3A_52] : memref<32xf32, #tpu.memory_space<vmem>>, vector<32xf32>
    %get3A_54 = arith.constant 0 : index
    %get3A_55 = vector.load %arg14[%get3A_54] : memref<32xf32, #tpu.memory_space<vmem>>, vector<32xf32>
    %reduce_sum3A_56 = arith.constant dense<0.000000e+00> : vector<32xf32>
    %reduce_sum3A_57 = vector.multi_reduction <add>, %add3A_51, %reduce_sum3A_56 [0, 1] : vector<16x1024x32xf32> to vector<32xf32>
    %broadcast_in_dim3A_58 = vector.shape_cast %reduce_sum3A_57 : vector<32xf32> to vector<1x1x32xf32>
    %div3A_59 = arith.constant 1.638400e+04 : f32
    %div3A_60 = vector.broadcast %div3A_59 : f32 to vector<1x1x32xf32>
    %div3A_61 = arith.divf %broadcast_in_dim3A_58, %div3A_60 : vector<1x1x32xf32>
    %sub3A_62 = vector.broadcast %div3A_61 : vector<1x1x32xf32> to vector<16x1024x32xf32>
    %sub3A_63 = arith.subf %add3A_51, %sub3A_62 : vector<16x1024x32xf32>
    %integer_pow3A_64 = arith.mulf %sub3A_63, %sub3A_63 : vector<16x1024x32xf32>
    %reduce_sum3A_65 = arith.constant dense<0.000000e+00> : vector<32xf32>
    %reduce_sum3A_66 = vector.multi_reduction <add>, %integer_pow3A_64, %reduce_sum3A_65 [0, 1] : vector<16x1024x32xf32> to vector<32xf32>
    %broadcast_in_dim3A_67 = vector.shape_cast %reduce_sum3A_66 : vector<32xf32> to vector<1x1x32xf32>
    %div3A_68 = arith.constant 1.638400e+04 : f32
    %div3A_69 = vector.broadcast %div3A_68 : f32 to vector<1x1x32xf32>
    %div3A_70 = arith.divf %broadcast_in_dim3A_67, %div3A_69 : vector<1x1x32xf32>
    %sub3A_71 = vector.broadcast %div3A_61 : vector<1x1x32xf32> to vector<16x1024x32xf32>
    %sub3A_72 = arith.subf %add3A_51, %sub3A_71 : vector<16x1024x32xf32>
    %add3A_73 = arith.constant 9.99999974E-6 : f32
    %add3A_74 = vector.broadcast %add3A_73 : f32 to vector<1x1x32xf32>
    %add3A_75 = arith.addf %div3A_70, %add3A_74 : vector<1x1x32xf32>
    %sqrt3A_76 = math.sqrt %add3A_75 : vector<1x1x32xf32>
    %div3A_77 = vector.broadcast %sqrt3A_76 : vector<1x1x32xf32> to vector<16x1024x32xf32>
    %div3A_78 = arith.divf %sub3A_72, %div3A_77 : vector<16x1024x32xf32>
    %broadcast_in_dim3A_79 = vector.shape_cast %get3A_53 : vector<32xf32> to vector<1x1x32xf32>
    %mul3A_80 = vector.broadcast %broadcast_in_dim3A_79 : vector<1x1x32xf32> to vector<16x1024x32xf32>
    %mul3A_81 = arith.mulf %div3A_78, %mul3A_80 : vector<16x1024x32xf32>
    %broadcast_in_dim3A_82 = vector.shape_cast %get3A_55 : vector<32xf32> to vector<1x1x32xf32>
    %add3A_83 = vector.broadcast %broadcast_in_dim3A_82 : vector<1x1x32xf32> to vector<16x1024x32xf32>
    %add3A_84 = arith.addf %mul3A_81, %add3A_83 : vector<16x1024x32xf32>
    %max3A_85 = arith.constant 0.000000e+00 : f32
    %max3A_86 = vector.broadcast %max3A_85 : f32 to vector<16x1024x32xf32>
    %max3A_87 = arith.maximumf %add3A_84, %max3A_86 : vector<16x1024x32xf32>
    %add3A_88 = arith.addf %max3A_87, %max3A_39 : vector<16x1024x32xf32>
    %get3A_89 = arith.constant 0 : index
    %get3A_90 = arith.constant 0 : index
    %get3A_91 = vector.load %arg5[%get3A_89, %get3A_90] : memref<32x64xf32, #tpu.memory_space<vmem>>, vector<32x64xf32>
    %get3A_92 = arith.constant 0 : index
    %get3A_93 = vector.load %arg6[%get3A_92] : memref<64xf32, #tpu.memory_space<vmem>>, vector<64xf32>
    %reshape3A_94 = vector.shape_cast %add3A_88 : vector<16x1024x32xf32> to vector<16384x32xf32>
    %dot_general3A_95 = arith.constant dense<0.000000e+00> : vector<16384x64xf32>
    %dot_general3A_96 = tpu.matmul %reshape3A_94, %get3A_91, %dot_general3A_95 {dimension_numbers = #tpu.dot_dimension_numbers<[1], [0], [0], [1], [0, 0, 1, 1], [], []>, transpose_lhs_hint = false} : vector<16384x32xf32>, vector<32x64xf32>, vector<16384x64xf32> -> vector<16384x64xf32>
    %reshape3A_97 = vector.shape_cast %dot_general3A_96 : vector<16384x64xf32> to vector<16x1024x64xf32>
    %broadcast_in_dim3A_98 = vector.shape_cast %get3A_93 : vector<64xf32> to vector<1x1x64xf32>
    %add3A_99 = vector.broadcast %broadcast_in_dim3A_98 : vector<1x1x64xf32> to vector<16x1024x64xf32>
    %add3A_100 = arith.addf %reshape3A_97, %add3A_99 : vector<16x1024x64xf32>
    %get3A_101 = arith.constant 0 : index
    %get3A_102 = vector.load %arg15[%get3A_101] : memref<64xf32, #tpu.memory_space<vmem>>, vector<64xf32>
    %get3A_103 = arith.constant 0 : index
    %get3A_104 = vector.load %arg16[%get3A_103] : memref<64xf32, #tpu.memory_space<vmem>>, vector<64xf32>
    %reduce_sum3A_105 = arith.constant dense<0.000000e+00> : vector<64xf32>
    %reduce_sum3A_106 = vector.multi_reduction <add>, %add3A_100, %reduce_sum3A_105 [0, 1] : vector<16x1024x64xf32> to vector<64xf32>
    %broadcast_in_dim3A_107 = vector.shape_cast %reduce_sum3A_106 : vector<64xf32> to vector<1x1x64xf32>
    %div3A_108 = arith.constant 1.638400e+04 : f32
    %div3A_109 = vector.broadcast %div3A_108 : f32 to vector<1x1x64xf32>
    %div3A_110 = arith.divf %broadcast_in_dim3A_107, %div3A_109 : vector<1x1x64xf32>
    %sub3A_111 = vector.broadcast %div3A_110 : vector<1x1x64xf32> to vector<16x1024x64xf32>
    %sub3A_112 = arith.subf %add3A_100, %sub3A_111 : vector<16x1024x64xf32>
    %integer_pow3A_113 = arith.mulf %sub3A_112, %sub3A_112 : vector<16x1024x64xf32>
    %reduce_sum3A_114 = arith.constant dense<0.000000e+00> : vector<64xf32>
    %reduce_sum3A_115 = vector.multi_reduction <add>, %integer_pow3A_113, %reduce_sum3A_114 [0, 1] : vector<16x1024x64xf32> to vector<64xf32>
    %broadcast_in_dim3A_116 = vector.shape_cast %reduce_sum3A_115 : vector<64xf32> to vector<1x1x64xf32>
    %div3A_117 = arith.constant 1.638400e+04 : f32
    %div3A_118 = vector.broadcast %div3A_117 : f32 to vector<1x1x64xf32>
    %div3A_119 = arith.divf %broadcast_in_dim3A_116, %div3A_118 : vector<1x1x64xf32>
    %sub3A_120 = vector.broadcast %div3A_110 : vector<1x1x64xf32> to vector<16x1024x64xf32>
    %sub3A_121 = arith.subf %add3A_100, %sub3A_120 : vector<16x1024x64xf32>
    %add3A_122 = arith.constant 9.99999974E-6 : f32
    %add3A_123 = vector.broadcast %add3A_122 : f32 to vector<1x1x64xf32>
    %add3A_124 = arith.addf %div3A_119, %add3A_123 : vector<1x1x64xf32>
    %sqrt3A_125 = math.sqrt %add3A_124 : vector<1x1x64xf32>
    %div3A_126 = vector.broadcast %sqrt3A_125 : vector<1x1x64xf32> to vector<16x1024x64xf32>
    %div3A_127 = arith.divf %sub3A_121, %div3A_126 : vector<16x1024x64xf32>
    %broadcast_in_dim3A_128 = vector.shape_cast %get3A_102 : vector<64xf32> to vector<1x1x64xf32>
    %mul3A_129 = vector.broadcast %broadcast_in_dim3A_128 : vector<1x1x64xf32> to vector<16x1024x64xf32>
    %mul3A_130 = arith.mulf %div3A_127, %mul3A_129 : vector<16x1024x64xf32>
    %broadcast_in_dim3A_131 = vector.shape_cast %get3A_104 : vector<64xf32> to vector<1x1x64xf32>
    %add3A_132 = vector.broadcast %broadcast_in_dim3A_131 : vector<1x1x64xf32> to vector<16x1024x64xf32>
    %add3A_133 = arith.addf %mul3A_130, %add3A_132 : vector<16x1024x64xf32>
    %max3A_134 = arith.constant 0.000000e+00 : f32
    %max3A_135 = vector.broadcast %max3A_134 : f32 to vector<16x1024x64xf32>
    %max3A_136 = arith.maximumf %add3A_133, %max3A_135 : vector<16x1024x64xf32>
    %get3A_137 = arith.constant 0 : index
    %get3A_138 = arith.constant 0 : index
    %get3A_139 = vector.load %arg7[%get3A_137, %get3A_138] : memref<64x64xf32, #tpu.memory_space<vmem>>, vector<64x64xf32>
    %get3A_140 = arith.constant 0 : index
    %get3A_141 = vector.load %arg8[%get3A_140] : memref<64xf32, #tpu.memory_space<vmem>>, vector<64xf32>
    %reshape3A_142 = vector.shape_cast %max3A_136 : vector<16x1024x64xf32> to vector<16384x64xf32>
    %dot_general3A_143 = arith.constant dense<0.000000e+00> : vector<16384x64xf32>
    %dot_general3A_144 = tpu.matmul %reshape3A_142, %get3A_139, %dot_general3A_143 {dimension_numbers = #tpu.dot_dimension_numbers<[1], [0], [0], [1], [0, 0, 1, 1], [], []>, transpose_lhs_hint = false} : vector<16384x64xf32>, vector<64x64xf32>, vector<16384x64xf32> -> vector<16384x64xf32>
    %reshape3A_145 = vector.shape_cast %dot_general3A_144 : vector<16384x64xf32> to vector<16x1024x64xf32>
    %broadcast_in_dim3A_146 = vector.shape_cast %get3A_141 : vector<64xf32> to vector<1x1x64xf32>
    %add3A_147 = vector.broadcast %broadcast_in_dim3A_146 : vector<1x1x64xf32> to vector<16x1024x64xf32>
    %add3A_148 = arith.addf %reshape3A_145, %add3A_147 : vector<16x1024x64xf32>
    %get3A_149 = arith.constant 0 : index
    %get3A_150 = vector.load %arg17[%get3A_149] : memref<64xf32, #tpu.memory_space<vmem>>, vector<64xf32>
    %get3A_151 = arith.constant 0 : index
    %get3A_152 = vector.load %arg18[%get3A_151] : memref<64xf32, #tpu.memory_space<vmem>>, vector<64xf32>
    %reduce_sum3A_153 = arith.constant dense<0.000000e+00> : vector<64xf32>
    %reduce_sum3A_154 = vector.multi_reduction <add>, %add3A_148, %reduce_sum3A_153 [0, 1] : vector<16x1024x64xf32> to vector<64xf32>
    %broadcast_in_dim3A_155 = vector.shape_cast %reduce_sum3A_154 : vector<64xf32> to vector<1x1x64xf32>
    %div3A_156 = arith.constant 1.638400e+04 : f32
    %div3A_157 = vector.broadcast %div3A_156 : f32 to vector<1x1x64xf32>
    %div3A_158 = arith.divf %broadcast_in_dim3A_155, %div3A_157 : vector<1x1x64xf32>
    %sub3A_159 = vector.broadcast %div3A_158 : vector<1x1x64xf32> to vector<16x1024x64xf32>
    %sub3A_160 = arith.subf %add3A_148, %sub3A_159 : vector<16x1024x64xf32>
    %integer_pow3A_161 = arith.mulf %sub3A_160, %sub3A_160 : vector<16x1024x64xf32>
    %reduce_sum3A_162 = arith.constant dense<0.000000e+00> : vector<64xf32>
    %reduce_sum3A_163 = vector.multi_reduction <add>, %integer_pow3A_161, %reduce_sum3A_162 [0, 1] : vector<16x1024x64xf32> to vector<64xf32>
    %broadcast_in_dim3A_164 = vector.shape_cast %reduce_sum3A_163 : vector<64xf32> to vector<1x1x64xf32>
    %div3A_165 = arith.constant 1.638400e+04 : f32
    %div3A_166 = vector.broadcast %div3A_165 : f32 to vector<1x1x64xf32>
    %div3A_167 = arith.divf %broadcast_in_dim3A_164, %div3A_166 : vector<1x1x64xf32>
    %sub3A_168 = vector.broadcast %div3A_158 : vector<1x1x64xf32> to vector<16x1024x64xf32>
    %sub3A_169 = arith.subf %add3A_148, %sub3A_168 : vector<16x1024x64xf32>
    %add3A_170 = arith.constant 9.99999974E-6 : f32
    %add3A_171 = vector.broadcast %add3A_170 : f32 to vector<1x1x64xf32>
    %add3A_172 = arith.addf %div3A_167, %add3A_171 : vector<1x1x64xf32>
    %sqrt3A_173 = math.sqrt %add3A_172 : vector<1x1x64xf32>
    %div3A_174 = vector.broadcast %sqrt3A_173 : vector<1x1x64xf32> to vector<16x1024x64xf32>
    %div3A_175 = arith.divf %sub3A_169, %div3A_174 : vector<16x1024x64xf32>
    %broadcast_in_dim3A_176 = vector.shape_cast %get3A_150 : vector<64xf32> to vector<1x1x64xf32>
    %mul3A_177 = vector.broadcast %broadcast_in_dim3A_176 : vector<1x1x64xf32> to vector<16x1024x64xf32>
    %mul3A_178 = arith.mulf %div3A_175, %mul3A_177 : vector<16x1024x64xf32>
    %broadcast_in_dim3A_179 = vector.shape_cast %get3A_152 : vector<64xf32> to vector<1x1x64xf32>
    %add3A_180 = vector.broadcast %broadcast_in_dim3A_179 : vector<1x1x64xf32> to vector<16x1024x64xf32>
    %add3A_181 = arith.addf %mul3A_178, %add3A_180 : vector<16x1024x64xf32>
    %max3A_182 = arith.constant 0.000000e+00 : f32
    %max3A_183 = vector.broadcast %max3A_182 : f32 to vector<16x1024x64xf32>
    %max3A_184 = arith.maximumf %add3A_181, %max3A_183 : vector<16x1024x64xf32>
    %add3A_185 = arith.addf %max3A_184, %max3A_136 : vector<16x1024x64xf32>
    %get3A_186 = arith.constant 0 : index
    %get3A_187 = arith.constant 0 : index
    %get3A_188 = vector.load %arg9[%get3A_186, %get3A_187] : memref<64x1xf32, #tpu.memory_space<vmem>>, vector<64x1xf32>
    %get3A_189 = arith.constant 0 : index
    %get3A_190 = vector.load %arg10[%get3A_189] : memref<1xf32, #tpu.memory_space<vmem>>, vector<1xf32>
    %reshape3A_191 = vector.shape_cast %add3A_185 : vector<16x1024x64xf32> to vector<16384x64xf32>
    %dot_general3A_192 = arith.constant dense<0.000000e+00> : vector<16384x1xf32>
    %dot_general3A_193 = tpu.matmul %reshape3A_191, %get3A_188, %dot_general3A_192 {dimension_numbers = #tpu.dot_dimension_numbers<[1], [0], [0], [1], [0, 0, 1, 1], [], []>, transpose_lhs_hint = false} : vector<16384x64xf32>, vector<64x1xf32>, vector<16384x1xf32> -> vector<16384x1xf32>
    %reshape3A_194 = vector.shape_cast %dot_general3A_193 : vector<16384x1xf32> to vector<16x1024x1xf32>
    %broadcast_in_dim3A_195 = vector.shape_cast %get3A_190 : vector<1xf32> to vector<1x1x1xf32>
    %add3A_196 = vector.broadcast %broadcast_in_dim3A_195 : vector<1x1x1xf32> to vector<16x1024x1xf32>
    %add3A_197 = arith.addf %reshape3A_194, %add3A_196 : vector<16x1024x1xf32>
    %swap3A = arith.constant 0 : index
    %swap3A_198 = arith.constant 0 : index
    %swap3A_199 = arith.constant 0 : index
    %swap3A_200 = vector.load %arg19[%swap3A, %swap3A_198, %swap3A_199] : memref<16x1024x1xf32, #tpu.memory_space<vmem>>, vector<16x1024x1xf32>
    tpu.vector_store %arg19[%swap3A, %swap3A_198, %swap3A_199], %add3A_197 {strides = array<i32>} : memref<16x1024x1xf32, #tpu.memory_space<vmem>>, vector<16x1024x1xf32>,
    return
  }
}

</mosaic_0001>

<sc_bundles>
// kernel: sparse-core-data-format-call.1.cloned.1.call-start
scs
called_computation.1_lowered:
.L_overlay_start_0:
0x0: {  	s1 =	sld [smem:$0x3FD9]  }
0x1: {  	s2 =	sld [smem:$0x3FFE];
	_ =	sdelay $0x1  }
0x2: {  	s3 =	srdreg.scid  }
0x3: {  	s0 =	sand.u32 $0x1, s3  }
0x4: {  	s17 =	sshll.u32 s0, $0xA;
	s1 =	sadd.s32 s2, s1  }
0x5: {  	s1 =	sadd.s32 s1, s17  }
0x6: {  	[smem:$0x3F24] =	sst s1  }
0x7: {  	_ = 	snop  }
0x8: {  	(tm) =	ssettm $0x1  }
0x9: {  	s18 =	sld [smem:$0x3FFB];
	_ =	sdelay $0x3  }
0xa: {  	_ =	strace s18  }
0xb: {  	s1 =	sld [smem:$0x3FFC];
	_ =	sdelay $0x3  }
0xc: {  	_ =	strace s1  }
0xd: {  	s1 =	sld [smem:$0x3FFD];
	_ =	sdelay $0x3  }
0xe: {  	_ =	strace s1  }
0xf: {  	_ =	strace $0x8FFFFFFF  }
0x10: {  	s19 =	sld [smem:$0x3FDB];
	_ =	sdelay $0x1  }
0x11: {  	s20 =	simm.s32 $_scs_section_size  }
0x12: {  	s4 =	simm.s32 $_size__tile_overlayer_lowered;
	s5 =	simm.s32 $_tile_overlayer_lowered  }
0x13: {  	s23 =	simm.s32 $0x1BFF;
	s22 =	sshll.u32 s5, $0x1;
	s1 =	sadd.s32 s20, s19  }
0x14: {  	s6 =	simm.s32 $0x0;
	s21 =	sshll.u32 s4, $0x1;
	s4 =	sadd.s32 s22, s1  }
0x15: {  	[timem:s6], [sflag:s23] =	dma.local [hbm:s4], s21  }
0x16: {  	_ =	swait.ge [sflag:s23], s21  }
0x17: {  	s2 =	ssub.s32 $0x0, s21;
	[sflag:s23] =	ssyncset.done $0x0  }
0x18: {  	[sflag:s23] =	ssyncadd.s32 s2;
	_ =	sdelay $0x1  }
0x19: {  	s24 =	simm.s32 $0x1B8B  }
0x1a: {  	_ =	swait.ge [sflag:s24], $0x1  }
0x1b: {  	[sflag:s24] =	ssyncset.done $0x0  }
0x1c: {  	s26 =	simm.s32 $0x1B8E;
	s25 =	sld [smem:$0x3FFE];
	[sflag:s24] =	ssyncadd.s32 $0xFFFFFFFF  }
0x1d: {  	s27 =	simm.s32 $execute0_lowered;
	[smem:$0x3FD2] =	sst s26  }
0x1e: {  	s4 =	sshll.u32 s27, $0x1;
	_ =	strace $0x8000004F;
	[dreg:$0x1] =	wrdreg $0xFFFFFFFF  }
0x1f: {  	s28 =	simm.s32 $_size_execute0_lowered;
	s1 =	sadd.s32 s1, s4;
	[dreg:$0x0] =	wrdreg $0x0  }
0x20: {  	s4 =	sshll.u32 s28, $0x1;
	[dreg:$0x2] =	wrdreg s1  }
0x21: {  	[dreg:$0x3] =	wrdreg s4  }
0x22: {  	[dreg:$0x4] =	wrdreg $0xC0  }
0x23: {  	_ =	task [dreg:s6], $0x5FFFF  }
0x24: {  	[dreg:$0x1] =	wrdreg $0xFFFFFFFF  }
0x25: {  	[dreg:$0x0] =	wrdreg $0x60  }
0x26: {  	[dreg:$0x2] =	wrdreg s25  }
0x27: {  	[dreg:$0x3] =	wrdreg $0x9  }
0x28: {  	_ =	task.clear_ibuf [dreg:s6], $0x4FFFF;
	_ =	strace $0x9000004F  }
0x29: {  	s29 =	simm.s32 $0x9;
	_ =	strace $0x80000051  }
0x2a: {  	_ =	swait.ge [sflag:s29], $0x1  }
0x2b: {  	[sflag:s29] =	ssyncadd.s32 $0xFFFFFFFF  }
0x2c: {  	_ =	strace $0x90000051  }
0x2d: {  	_ =	sfence  }
0x2e: {  	s30 =	sld [smem:$0x0];
	_ =	sdelay $0x2  }
0x2f: {  	s31 =	sshll.u32 s3, $0xD;
	s3 =	sshrl.u32 s3, $0x2  }
0x30: {  	s2 =	sand.u32 $0x4000, s31;
	s1 =	sadd.s32 s3, s30  }
0x31: {  	s0 =	sor.u32 s2, s0;
	s1 =	sshll.u32 s1, $0x11  }
0x32: {  	s0 =	sor.u32 s1, s0  }
0x33: {  	s0 =	sadd.s32 $0x8F2B, s0  }
0x34: {  	[sflag:s0] =	ssyncadd.remote.s32 $0x1  }
0x35: {  	_ =	sfence.sel $0xFFFF  }
0x36: {  	[dreg:$0x0] =	wrdreg $0xFFFFFFFF;
	(pc) =	sbr.abs _section_cstart, $3  }
0x37: {  	[dreg:$0x1] =	wrdreg $0xFFFFFFFF  }
0x38: {  	_ =	task.clear_ibuf [dreg:s6], $0x2FFFF;
	_ =	strace $0x9FFFFFFF  }
0x39: {  	(tm) =	ssettm $0x7FFFFFFF  }
tec
execute0_lowered:
.L_overlay_start_1:
0x0: {  	(tag) =	ssettag $0x1  }
0x1: {  	s0 =	srdreg.scid;
	s3 =	rddreg [dreg:$0x0];
	s5 =	simm.s32 $0x1  }
0x2: {  	s7 =	simm.s32 $0x2;
	s16 =	simm.s32 $0x0;
	p0 =	por $0x0, $0x0  }
0x3: {  	s8 =	simm.s32 $0x4000;
	s17 =	simm.s32 $0x0;
	s18 =	simm.s32 $0x0  }
0x4: {  	s9 =	simm.s32 $0x0;
	s10 =	simm.s32 $0x0;
	s1 =	sshll.u32 s0, $0x7  }
0x5: {  	s11 =	simm.s32 $0x0;
	s12 =	simm.s32 $0x0;
	s1 =	sand.u32 $0x80, s1  }
0x6: {  	s0 =	rddreg [dreg:$0x1];
	_ =	strace $0x80000050;
	s6 =	ssub.s32 $0x400, s1  }
.Ltmp0:
0x7: {  	s2 =	sadd.s32 $0x597000, s3;
	s31 =	sshrl.u32 s6, $0x7;
	(pc) =	sbr.rel .LBB1_1-.Ltmp0, $4  }
0x8: {  	s4 =	sadd.s32 $0x997000, s3;
	s6 =	sshrl.u32 s6, $0x8;
	s3 =	sand.u32 $0x1, s31  }
0x9: {  	s14 =	stileid.u32;
	[sflag:s5] =	ssyncpa.u1 $0x0;
	s6 =	sadd.s32 s6, s3  }
0xa: {  	s15 =	simm.s32 $0x0;
	[sflag:s7] =	ssyncpa.u1 $0x0;
	s6 =	sshll.u32 s6, $0x4  }
0xb: {  	s13 =	smov.u32 s1;
	s3 =	stileid.u32;
	s7 =	sor.u32 $0x1, s6  }
.LBB1_4:
0xc: {  	s23 =	sshra.s32 s23, $0x2;
	s24 =	sshll.u32 s9, $0xA  }
0xd: {  	s30 =	sshll.u32 s10, $0x4;
	p1 =	sgt.s32 s11, $0xF;
	s25 =	smov.u32 s11  }
0xe: {  	s26 =	sshra.s32 s11, $0x1F;
	s27 =	sshll.u32 s9, $0x7;
	p2 =	sgt.s32 s9, $0x1E  }
0xf: {  	s22 =	sadd.s32 s23, s22;
	s29 =	sand.u32 $0x4000, s24;
	s24 =	sand.u32 $0x7800, s30  }
0x10: {  	s25 =	simm.s32 @!p1 $0xF;
	s26 =	sand.u32 s26, s11;
	s31 =	sand.u32 $0x400, s27  }
0x11: {  	s23 =	sadd.s32 s24, s29;
	s25 =	ssub.s32 s25, s26;
	s26 =	smov.u32 s9  }
0x12: {  	s29 =	sshra.s32 s9, $0x1F;
	s23 =	sor.u32 s31, s23;
	s28 =	sadd.s32 $0xFFFFFFF1, s25  }
0x13: {  	[tilespmem:s21+$0x2040 ss:$0x81] =	vst.msk $0xffff, v4;
	s26 =	simm.s32 @!p2 $0x1E;
	s24 =	sand.u32 s29, s9;
	p2 =	sgt.s32 s10, $0x380  }
0x14: {  	v5 =	vld [tilespmem:s20+$0xFFFFFFD0];
	[tilespmem:s21+$0x2850 ss:$0x81] =	vst.msk $0xffff, v3;
	s29 =	sshra.s32 s10, $0x1F;
	p1 =	sgt.s32 s28, $0x0;
	s28 =	smov.u32 s10  }
0x15: {  	v58 =	vld [tilespmem:s20+$0xFFFFFFE0];
	[tilespmem:s21+$0x3060 ss:$0x81] =	vst.msk $0xffff, v2;
	s25 =	ssub.s32 $0x10, s25;
	s30 =	sand.u32 s29, s10;
	s28 =	simm.s32 @!p2 $0x380  }
0x16: {  	v59 =	vld [tilespmem:s20+$0xFFFFFFF0];
	[tilespmem:s21+$0x0 ss:$0x81] =	vst.msk $0xffff, v1;
	s24 =	ssub.s32 s26, s24;
	s21 =	smul.u32 $0x70, s25;
	s26 =	ssub.s32 s28, s30  }
0x17: {  	v60 =	vld [tilespmem:s20+$0x0];
	s23 =	sshrl.u32 s23, $0x4;
	s31 =	sadd.s32 $0xFFFFFFE2, s24;
	s29 =	sadd.s32 $0xFFFFFC80, s26  }
0x18: {  	v61 =	vld [tilespmem:s20+$0x10];
	[tilespmem:s22+$0x3870 ss:$0x81] =	vst.msk $0xffff, v0;
	s24 =	ssub.s32 $0x20, s24;
	s26 =	ssub.s32 $0x400, s26;
	p3 =	sgt.s32 s29, $0x7F  }
0x19: {  	v62 =	vld [tilespmem:s20+$0x20];
	[tilespmem:s22+$0x810 ss:$0x81] =	vst.msk $0xffff, v5;
	p2 =	sgt.s32 s31, $0x1;
	s21 =	simm.s32 @p1 $0x0;
	s26 =	simm.s32 @p3 $0x0  }
0x1a: {  	v63 =	vld [tilespmem:s20+$0xFFFFFFC0];
	[tilespmem:s22+$0x1020 ss:$0x81] =	vst.msk $0xffff, v58;
	s30 =	sshll.u32 s10, $0x1;
	s31 =	sand.u32 $0x300, s27;
	s21 =	smul.u32 s21, s26  }
0x1b: {  	[tilespmem:s22+$0x1830 ss:$0x81] =	vst.msk $0xffff, v59;
	s27 =	smul.u32 $0x38000, s11;
	s25 =	sand.u32 $0xF0, s30;
	s24 =	simm.s32 @p2 $0x0  }
0x1c: {  	[tilespmem:s22+$0x2040 ss:$0x81] =	vst.msk $0xffff, v60;
	s23 =	sand.u32 $0x7C0, s23;
	s20 =	sor.u32 s25, s31;
	s21 =	smul.u32 s24, s21  }
0x1d: {  	[tilespmem:s22+$0x2850 ss:$0x81] =	vst.msk $0xffff, v61;
	s28 =	sadd.s32 s4, s27;
	s29 =	sand.u32 $0x7, s10;
	s20 =	sshrl.u32 s20, $0x4  }
0x1e: {  	[tilespmem:s22+$0x3060 ss:$0x81] =	vst.msk $0xffff, v62;
	s30 =	sshll.u32 s29, $0x12;
	s20 =	sadd.s32 s20, s28;
	s21 =	sshrl.u32 s21, $0x1  }
0x1f: {  	[tilespmem:s22+$0x0 ss:$0x81] =	vst.msk $0xffff, v63;
	s31 =	sor.u32 $0x80, s30;
	s20 =	sadd.s32 s23, s20;
	s21 =	sand.u32 $0x3FFFFFF8, s21  }
0x20: {  	[hbm4b:s20+s31] =	stream.strided.scatter [tilespmem:s19], [sflag:$0x2], s21, s8, s31, $0x20;
	[tilespmem:$0x10100] =	vst v63  }
.LBB1_5:
0x21: {  	p1 =	slt.u32 s15, $0x2  }
0x22: {  	p2 =	sgt.s32 @!p1 s18, $0xF  }
0x23: {  	s19 =	smov.u32 s18;
	s20 =	sshra.s32 @!p1 s18, $0x1F;
	p2 =	por !p2, p1  }
0x24: {  	s18 =	sand.u32 @!p1 s20, s18;
	s19 =	simm.s32 @p2 $0xF  }
0x25: {  	p3 =	sgt.s32 @!p1 s17, $0x380;
	s18 =	ssub.s32 @!p1 s19, s18  }
0x26: {  	p3 =	por !p3, p1;
	s19 =	sadd.s32 @!p1 $0xFFFFFFF1, s18  }
0x27: {  	s20 =	sshra.s32 @!p1 s17, $0x1F;
	s18 =	ssub.s32 @!p1 $0x10, s18;
	p2 =	sgt.s32 @!p1 s19, $0x0  }
0x28: {  	s18 =	smul.u32 @!p1 $0x70, s18;
	s19 =	smov.u32 s17;
	s17 =	sand.u32 @!p1 s20, s17  }
0x29: {  	s20 =	smov.u32 s16;
	s19 =	simm.s32 @p3 $0x380;
	p3 =	sgt.s32 @!p1 s16, $0x1E  }
0x2a: {  	p3 =	por !p3, p1;
	s17 =	ssub.s32 @!p1 s19, s17;
	s19 =	sshra.s32 @!p1 s16, $0x1F  }
0x2b: {  	s20 =	simm.s32 @p3 $0x1E;
	s16 =	sand.u32 @!p1 s19, s16;
	s19 =	sadd.s32 @!p1 $0xFFFFFC80, s17  }
0x2c: {  	p2 =	por !p2, p1;
	s16 =	ssub.s32 @!p1 s20, s16;
	p3 =	sgt.s32 @!p1 s19, $0x7F  }
0x2d: {  	s17 =	ssub.s32 @!p1 $0x400, s17;
	s19 =	sadd.s32 @!p1 $0xFFFFFFE2, s16;
	p3 =	por !p3, p1  }
0x2e: {  	s18 =	simm.s32 @!p2 $0x0;
	p2 =	sgt.s32 @!p1 s19, $0x1;
	s17 =	simm.s32 @!p3 $0x0  }
0x2f: {  	s16 =	ssub.s32 @!p1 $0x20, s16;
	p2 =	por !p2, p1;
	s17 =	smul.u32 @!p1 s18, s17  }
0x30: {  	s20 =	smov.u32 s13;
	s19 =	sadd.s32 $0x2, s12;
	s16 =	simm.s32 @!p2 $0x0  }
0x31: {  	p2 =	sgt.s32 s19, $0x1F;
	s16 =	smul.u32 @!p1 s16, s17;
	s17 =	sadd.s32 $0x100, s13  }
0x32: {  	s21 =	smov.u32 s14;
	s20 =	smov.u32 @p2 s17  }
0x33: {  	p0 =	por !p0, !p0;
	s17 =	sadd.s32 $0x10, s14;
	p3 =	sgt.s32 s20, $0x3FF  }
0x34: {  	s22 =	simm.s32 @!p1 $0x2;
	s18 =	smov.u32 s11;
	s21 =	smov.u32 @p3 s17  }
0x35: {  	s11 =	smov.u32 s14;
	s19 =	simm.s32 @p2 $0x0;
	p2 =	sgt.s32 s21, $0xF  }
0x36: {  	s16 =	sshrl.u32 @!p1 s16, $0x1;
	s21 =	smov.u32 @p2 s3;
	p2 =	sne.s32 s15, s7  }
.Ltmp1:
0x37: {  	s16 =	sand.u32 @!p1 $0x3FFFFFF8, s16;
	s20 =	smov.u32 @p3 s1;
	(pc) =	sbr.rel @!p2 .LBB1_6-.Ltmp1, $4  }
0x38: {  	s17 =	smov.u32 s10;
	s10 =	smov.u32 s13;
	_ =	swait.ge @!p1 [sflag:s22], s16  }
0x39: {  	s23 =	ssub.s32 @!p1 $0x0, s16;
	s16 =	smov.u32 s9;
	s9 =	smov.u32 s12  }
0x3a: {  	s12 =	smov.u32 s19;
	s13 =	smov.u32 s20;
	[sflag:s22] =	ssyncset.done @!p1 $0x0  }
0x3b: {  	s15 =	sadd.s32 $0x1, s15;
	[sflag:s22] =	ssyncadd.s32 @!p1 s23;
	s14 =	smov.u32 s21  }
.LBB1_1:
0x3c: {  	p1 =	sge.u32 s15, s6;
	s31 =	sadd.s32 $0xFFFFFFFF, s15  }
0x3d: {  	s19 =	sshll.u32 @!p1 s14, $0x12;
	s20 =	sshll.u32 @!p1 s13, $0x8;
	s21 =	sshll.u32 @!p1 s12, $0x3  }
0x3e: {  	s22 =	sxor.u32 @!p1 $0xFFFFFFFF, s15;
	s19 =	sadd.s32 @!p1 s2, s19;
	s21 =	sand.u32 @!p1 $0xF0, s21  }
0x3f: {  	s19 =	sadd.s32 @!p1 s20, s19;
	s20 =	sshll.u32 @!p1 s22, $0xE;
	s22 =	simm.s32 @!p1 $0x800  }
0x40: {  	s19 =	sadd.s32 @!p1 s21, s19;
	s20 =	sand.u32 @!p1 $0x4000, s20;
	s21 =	simm.s32 @!p1 $0x80  }
0x41: {  	[tilespmem:s20], [sflag:$0x1] =	stream.strided.gather @!p1 [hbm4b:s19+s21], $0x4000, s22, s21, $0x38;
	[tilespmem:$0x10100] =	vst v63  }
0x42: {  	p1 =	sge.u32 s31, s6  }
.Ltmp2:
0x43: {  	_ = 	snop;
	(pc) =	sbr.rel @p1 .LBB1_5-.Ltmp2, $1  }
0x44: {  	_ =	sdelay $0x3  }
0x45: {  	s19 =	simm.s32 $0x1  }
0x46: {  	_ =	swait.ge [sflag:s5], $0x4000;
	s19 =	simm.s32 @!p0 $0x0  }
0x47: {  	[sflag:s5] =	ssyncset.done $0x0;
	s20 =	sshll.u32 s19, $0xE  }
0x48: {  	[sflag:s5] =	ssyncadd.s32 $0xFFFFC000;
	s20 =	sor.u32 $0x40, s20  }
0x49: {  	s19 =	smul.u32 $0x10200, s19;
	v0 =	vld [tilespmem:s20+$0x30]  }
0x4a: {  	v1 =	vld [tilespmem:s20+$0xFFFFFFD0]  }
0x4b: {  	s19 =	sshrl.u32 s19, $0x2;
	v5 =	vld [tilespmem:s20+$0xFFFFFFE0]  }
0x4c: {  	v6 =	vld [tilespmem:s20+$0xFFFFFFF0];
	s22 =	sor.u32 $0x8000, s19  }
0x4d: {  	s31 =	sand.u32 $0x1, s15;
	v4 =	vld [tilespmem:s20+$0x0];
	s21 =	sadd.s32 $0x0, s22  }
0x4e: {  	v3 =	vld [tilespmem:s20+$0x10];
	s19 =	smul.u32 $0x10200, s31;
	[tilespmem:s21+$0x3870 ss:$0x81] =	vst.msk $0xffff, v0  }
0x4f: {  	v2 =	vld [tilespmem:s20+$0x20];
	[tilespmem:s21+$0x810 ss:$0x81] =	vst.msk $0xffff, v1  }
0x50: {  	s19 =	sshrl.u32 s19, $0x2;
	v1 =	vld [tilespmem:s20+$0xFFFFFFC0];
	[tilespmem:s21+$0x1020 ss:$0x81] =	vst.msk $0xffff, v5;
	s20 =	sadd.s32 $0x80, s20  }
0x51: {  	s23 =	simm.s32 $0x4;
	s24 =	simm.s32 $0x8;
	s19 =	sor.u32 $0x8000, s19;
	[tilespmem:s21+$0x1830 ss:$0x81] =	vst.msk $0xffff, v6;
	v0 =	vld [tilespmem:s20+$0x30]  }
.LBB1_3:
0x52: {  	p1 =	sne.s32 s24, $0x1FC;
	v5 =	vld [tilespmem:s20+$0xFFFFFFD0];
	[tilespmem:s21+$0x2040 ss:$0x81] =	vst.msk $0xffff, v4  }
0x53: {  	v6 =	vld [tilespmem:s20+$0xFFFFFFE0];
	[tilespmem:s21+$0x2850 ss:$0x81] =	vst.msk $0xffff, v3  }
0x54: {  	s25 =	sshra.s32 s23, $0x2;
	s23 =	smov.u32 s24;
	v7 =	vld [tilespmem:s20+$0xFFFFFFF0];
	[tilespmem:s21+$0x3060 ss:$0x81] =	vst.msk $0xffff, v2  }
.Ltmp3:
0x55: {  	v4 =	vld [tilespmem:s20+$0x0];
	[tilespmem:s21+$0x0 ss:$0x81] =	vst.msk $0xffff, v1;
	s21 =	sadd.s32 s25, s22;
	(pc) =	sbr.rel @p1 .LBB1_3-.Ltmp3, $4  }
0x56: {  	v3 =	vld [tilespmem:s20+$0x10];
	[tilespmem:s21+$0x3870 ss:$0x81] =	vst.msk $0xffff, v0  }
0x57: {  	[tilespmem:s21+$0x810 ss:$0x81] =	vst.msk $0xffff, v5;
	v2 =	vld [tilespmem:s20+$0x20]  }
0x58: {  	v1 =	vld [tilespmem:s20+$0xFFFFFFC0];
	[tilespmem:s21+$0x1020 ss:$0x81] =	vst.msk $0xffff, v6;
	s20 =	sadd.s32 $0x80, s20  }
0x59: {  	s24 =	sadd.s32 $0x4, s24;
	v0 =	vld [tilespmem:s20+$0x30];
	[tilespmem:s21+$0x1830 ss:$0x81] =	vst.msk $0xffff, v7  }
.Ltmp4:
0x5a: {  	_ = 	snop;
	(pc) =	sbr.rel .LBB1_4-.Ltmp4, $1  }
0x5b: {  	_ =	sdelay $0x3  }
.LBB1_6:
0x5c: {  	_ =	sfence.sel $0x180000  }
0x5d: {  	s1 =	simm.s32 $0x1;
	[bflag:$0x0] =	sbarrier.arrive $0xFFFF  }
0x5e: {  	s31 =	simm.s32 $0x2;
	[sflag:s1] =	ssyncpa.u1 $0x1  }
0x5f: {  	[sflag:s31] =	ssyncpa.u1 $0x1  }
0x60: {  	p0 =	sne.s32 s3, $0x0;
	_ =	strace $0x90000050  }
0x61: {  	s0 =	sadd.s32 @!p0 $0x100000, s0;
	[bflag:$0x2] =	sbarrier.arrive $0xFFFF  }
0x62: {  	[sflag:s0] =	ssyncadd.tile.s32 @!p0 $0x1;
	_ =	shalt  }
.Lfunc_end1:
_tile_overlayer_lowered:
.L_overlay_start_2:
0x63: {  	(tag) =	ssettag $0x2  }
0x64: {  	s0 =	rddreg [dreg:$0x0];
	s2 =	stileid.u32  }
0x65: {  	s1 =	rddreg [dreg:$0x1];
	p0 =	sne.s32 s2, $0x0  }
0x66: {  	s3 =	rddreg [dreg:$0x2];
	[bflag:$0x3] =	sbarrier.arrive $0xFFFF;
	s2 =	simm.s32 @!p0 $0x1C01  }
0x67: {  	[timem:s3], [sflag:s2] =	dma.local @!p0 [hbm:s0], s1  }
0x68: {  	s0 =	simm.s32 @!p0 $0x1  }
0x69: {  	_ =	swait.ge @!p0 [sflag:s0], s1  }
0x6a: {  	s1 =	ssub.s32 @!p0 $0x0, s1;
	[sflag:s0] =	ssyncset.done @!p0 $0x0  }
0x6b: {  	[sflag:s0] =	ssyncadd.s32 @!p0 s1  }
0x6c: {  	[bflag:$0x3] =	sbarrier.arrive $0xFFFF  }
0x6d: {  	_ =	shalt  }

// kernel: sparse-core-data-format-call.2.cloned.1.call-start
scs
called_computation.2_lowered:
.L_overlay_start_0:
0x0: {  	s1 =	sld [smem:$0x3FD9]  }
0x1: {  	s2 =	sld [smem:$0x3FFE];
	_ =	sdelay $0x1  }
0x2: {  	s3 =	srdreg.scid  }
0x3: {  	s0 =	sand.u32 $0x1, s3  }
0x4: {  	s17 =	sshll.u32 s0, $0xA;
	s1 =	sadd.s32 s2, s1  }
0x5: {  	s1 =	sadd.s32 s1, s17  }
0x6: {  	[smem:$0x3F24] =	sst s1  }
0x7: {  	_ = 	snop  }
0x8: {  	(tm) =	ssettm $0x1  }
0x9: {  	s18 =	sld [smem:$0x3FFB];
	_ =	sdelay $0x3  }
0xa: {  	_ =	strace s18  }
0xb: {  	s1 =	sld [smem:$0x3FFC];
	_ =	sdelay $0x3  }
0xc: {  	_ =	strace s1  }
0xd: {  	s1 =	sld [smem:$0x3FFD];
	_ =	sdelay $0x3  }
0xe: {  	_ =	strace s1  }
0xf: {  	_ =	strace $0x8FFFFFFF  }
0x10: {  	s19 =	sld [smem:$0x3FDB];
	_ =	sdelay $0x1  }
0x11: {  	s20 =	simm.s32 $_scs_section_size  }
0x12: {  	s4 =	simm.s32 $_size__tile_overlayer_lowered;
	s5 =	simm.s32 $_tile_overlayer_lowered  }
0x13: {  	s23 =	simm.s32 $0x1BFF;
	s22 =	sshll.u32 s5, $0x1;
	s1 =	sadd.s32 s20, s19  }
0x14: {  	s6 =	simm.s32 $0x0;
	s21 =	sshll.u32 s4, $0x1;
	s4 =	sadd.s32 s22, s1  }
0x15: {  	[timem:s6], [sflag:s23] =	dma.local [hbm:s4], s21  }
0x16: {  	_ =	swait.ge [sflag:s23], s21  }
0x17: {  	s2 =	ssub.s32 $0x0, s21;
	[sflag:s23] =	ssyncset.done $0x0  }
0x18: {  	[sflag:s23] =	ssyncadd.s32 s2;
	_ =	sdelay $0x1  }
0x19: {  	s24 =	simm.s32 $0x1B8B  }
0x1a: {  	_ =	swait.ge [sflag:s24], $0x1  }
0x1b: {  	[sflag:s24] =	ssyncset.done $0x0  }
0x1c: {  	s26 =	simm.s32 $0x1B8E;
	s25 =	sld [smem:$0x3FFE];
	[sflag:s24] =	ssyncadd.s32 $0xFFFFFFFF  }
0x1d: {  	s27 =	simm.s32 $execute0_lowered;
	[smem:$0x3FD2] =	sst s26  }
0x1e: {  	s4 =	sshll.u32 s27, $0x1;
	_ =	strace $0x8000004C;
	[dreg:$0x1] =	wrdreg $0xFFFFFFFF  }
0x1f: {  	s28 =	simm.s32 $_size_execute0_lowered;
	s1 =	sadd.s32 s1, s4;
	[dreg:$0x0] =	wrdreg $0x0  }
0x20: {  	s4 =	sshll.u32 s28, $0x1;
	[dreg:$0x2] =	wrdreg s1  }
0x21: {  	[dreg:$0x3] =	wrdreg s4  }
0x22: {  	[dreg:$0x4] =	wrdreg $0xC0  }
0x23: {  	_ =	task [dreg:s6], $0x5FFFF  }
0x24: {  	[dreg:$0x1] =	wrdreg $0xFFFFFFFF  }
0x25: {  	[dreg:$0x0] =	wrdreg $0x60  }
0x26: {  	[dreg:$0x2] =	wrdreg s25  }
0x27: {  	[dreg:$0x3] =	wrdreg $0x9  }
0x28: {  	_ =	task.clear_ibuf [dreg:s6], $0x4FFFF;
	_ =	strace $0x9000004C  }
0x29: {  	s29 =	simm.s32 $0x9;
	_ =	strace $0x8000004E  }
0x2a: {  	_ =	swait.ge [sflag:s29], $0x1  }
0x2b: {  	[sflag:s29] =	ssyncadd.s32 $0xFFFFFFFF  }
0x2c: {  	_ =	strace $0x9000004E  }
0x2d: {  	_ =	sfence  }
0x2e: {  	s30 =	sld [smem:$0x0];
	_ =	sdelay $0x2  }
0x2f: {  	s31 =	sshll.u32 s3, $0xD;
	s3 =	sshrl.u32 s3, $0x2  }
0x30: {  	s2 =	sand.u32 $0x4000, s31;
	s1 =	sadd.s32 s3, s30  }
0x31: {  	s0 =	sor.u32 s2, s0;
	s1 =	sshll.u32 s1, $0x11  }
0x32: {  	s0 =	sor.u32 s1, s0  }
0x33: {  	s0 =	sadd.s32 $0x8F2B, s0  }
0x34: {  	[sflag:s0] =	ssyncadd.remote.s32 $0x1  }
0x35: {  	_ =	sfence.sel $0xFFFF  }
0x36: {  	[dreg:$0x0] =	wrdreg $0xFFFFFFFF;
	(pc) =	sbr.abs _section_cstart, $3  }
0x37: {  	[dreg:$0x1] =	wrdreg $0xFFFFFFFF  }
0x38: {  	_ =	task.clear_ibuf [dreg:s6], $0x2FFFF;
	_ =	strace $0x9FFFFFFF  }
0x39: {  	(tm) =	ssettm $0x7FFFFFFF  }
tec
execute0_lowered:
.L_overlay_start_1:
0x0: {  	(tag) =	ssettag $0x1  }
0x1: {  	s0 =	srdreg.scid;
	s3 =	rddreg [dreg:$0x0];
	s5 =	simm.s32 $0x1  }
0x2: {  	s7 =	simm.s32 $0x2;
	s16 =	simm.s32 $0x0;
	p0 =	por $0x0, $0x0  }
0x3: {  	s8 =	simm.s32 $0x4000;
	s17 =	simm.s32 $0x0;
	s18 =	simm.s32 $0x0  }
0x4: {  	s9 =	simm.s32 $0x0;
	s10 =	simm.s32 $0x0;
	s1 =	sshll.u32 s0, $0x7  }
0x5: {  	s11 =	simm.s32 $0x0;
	s12 =	simm.s32 $0x0;
	s1 =	sand.u32 $0x80, s1  }
0x6: {  	s0 =	rddreg [dreg:$0x1];
	_ =	strace $0x8000004D;
	s6 =	ssub.s32 $0x400, s1  }
.Ltmp0:
0x7: {  	s2 =	sadd.s32 $0x597000, s3;
	s31 =	sshrl.u32 s6, $0x7;
	(pc) =	sbr.rel .LBB1_1-.Ltmp0, $4  }
0x8: {  	s4 =	sadd.s32 $0x163000, s3;
	s6 =	sshrl.u32 s6, $0x8;
	s3 =	sand.u32 $0x1, s31  }
0x9: {  	s14 =	stileid.u32;
	[sflag:s5] =	ssyncpa.u1 $0x0;
	s6 =	sadd.s32 s6, s3  }
0xa: {  	s15 =	simm.s32 $0x0;
	[sflag:s7] =	ssyncpa.u1 $0x0;
	s6 =	sshll.u32 s6, $0x4  }
0xb: {  	s13 =	smov.u32 s1;
	s3 =	stileid.u32;
	s7 =	sor.u32 $0x1, s6  }
.LBB1_4:
0xc: {  	s23 =	sshra.s32 s23, $0x2;
	s24 =	sshll.u32 s9, $0xA  }
0xd: {  	s30 =	sshll.u32 s10, $0x4;
	p1 =	sgt.s32 s11, $0xF;
	s25 =	smov.u32 s11  }
0xe: {  	s26 =	sshra.s32 s11, $0x1F;
	s27 =	sshll.u32 s9, $0x7;
	p2 =	sgt.s32 s9, $0x1E  }
0xf: {  	s22 =	sadd.s32 s23, s22;
	s29 =	sand.u32 $0x4000, s24;
	s24 =	sand.u32 $0x7800, s30  }
0x10: {  	s25 =	simm.s32 @!p1 $0xF;
	s26 =	sand.u32 s26, s11;
	s31 =	sand.u32 $0x400, s27  }
0x11: {  	s23 =	sadd.s32 s24, s29;
	s25 =	ssub.s32 s25, s26;
	s26 =	smov.u32 s9  }
0x12: {  	s29 =	sshra.s32 s9, $0x1F;
	s23 =	sor.u32 s31, s23;
	s28 =	sadd.s32 $0xFFFFFFF1, s25  }
0x13: {  	[tilespmem:s21+$0x2040 ss:$0x81] =	vst.msk $0xffff, v4;
	s26 =	simm.s32 @!p2 $0x1E;
	s24 =	sand.u32 s29, s9;
	p2 =	sgt.s32 s10, $0x380  }
0x14: {  	v5 =	vld [tilespmem:s20+$0xFFFFFFD0];
	[tilespmem:s21+$0x2850 ss:$0x81] =	vst.msk $0xffff, v3;
	s29 =	sshra.s32 s10, $0x1F;
	p1 =	sgt.s32 s28, $0x0;
	s28 =	smov.u32 s10  }
0x15: {  	v58 =	vld [tilespmem:s20+$0xFFFFFFE0];
	[tilespmem:s21+$0x3060 ss:$0x81] =	vst.msk $0xffff, v2;
	s25 =	ssub.s32 $0x10, s25;
	s30 =	sand.u32 s29, s10;
	s28 =	simm.s32 @!p2 $0x380  }
0x16: {  	v59 =	vld [tilespmem:s20+$0xFFFFFFF0];
	[tilespmem:s21+$0x0 ss:$0x81] =	vst.msk $0xffff, v1;
	s24 =	ssub.s32 s26, s24;
	s21 =	smul.u32 $0x50, s25;
	s26 =	ssub.s32 s28, s30  }
0x17: {  	v60 =	vld [tilespmem:s20+$0x0];
	s23 =	sshrl.u32 s23, $0x4;
	s31 =	sadd.s32 $0xFFFFFFE2, s24;
	s29 =	sadd.s32 $0xFFFFFC80, s26  }
0x18: {  	v61 =	vld [tilespmem:s20+$0x10];
	[tilespmem:s22+$0x3870 ss:$0x81] =	vst.msk $0xffff, v0;
	s24 =	ssub.s32 $0x20, s24;
	s26 =	ssub.s32 $0x400, s26;
	p3 =	sgt.s32 s29, $0x7F  }
0x19: {  	v62 =	vld [tilespmem:s20+$0x20];
	[tilespmem:s22+$0x810 ss:$0x81] =	vst.msk $0xffff, v5;
	p2 =	sgt.s32 s31, $0x1;
	s21 =	simm.s32 @p1 $0x0;
	s26 =	simm.s32 @p3 $0x0  }
0x1a: {  	v63 =	vld [tilespmem:s20+$0xFFFFFFC0];
	[tilespmem:s22+$0x1020 ss:$0x81] =	vst.msk $0xffff, v58;
	s30 =	sshll.u32 s10, $0x1;
	s31 =	sand.u32 $0x300, s27;
	s21 =	smul.u32 s21, s26  }
0x1b: {  	[tilespmem:s22+$0x1830 ss:$0x81] =	vst.msk $0xffff, v59;
	s27 =	smul.u32 $0x28000, s11;
	s25 =	sand.u32 $0xF0, s30;
	s24 =	simm.s32 @p2 $0x0  }
0x1c: {  	[tilespmem:s22+$0x2040 ss:$0x81] =	vst.msk $0xffff, v60;
	s23 =	sand.u32 $0x7C0, s23;
	s20 =	sor.u32 s25, s31;
	s21 =	smul.u32 s24, s21  }
0x1d: {  	[tilespmem:s22+$0x2850 ss:$0x81] =	vst.msk $0xffff, v61;
	s28 =	sadd.s32 s4, s27;
	s29 =	sand.u32 $0x7, s10;
	s20 =	sshrl.u32 s20, $0x4  }
0x1e: {  	[tilespmem:s22+$0x3060 ss:$0x81] =	vst.msk $0xffff, v62;
	s30 =	sshll.u32 s29, $0x12;
	s20 =	sadd.s32 s20, s28;
	s21 =	sshrl.u32 s21, $0x1  }
0x1f: {  	[tilespmem:s22+$0x0 ss:$0x81] =	vst.msk $0xffff, v63;
	s31 =	sor.u32 $0x80, s30;
	s20 =	sadd.s32 s23, s20;
	s21 =	sand.u32 $0x3FFFFFF8, s21  }
0x20: {  	[hbm4b:s20+s31] =	stream.strided.scatter [tilespmem:s19], [sflag:$0x2], s21, s8, s31, $0x20;
	[tilespmem:$0x10100] =	vst v63  }
.LBB1_5:
0x21: {  	p1 =	slt.u32 s15, $0x2  }
0x22: {  	p2 =	sgt.s32 @!p1 s18, $0xF  }
0x23: {  	s19 =	smov.u32 s18;
	s20 =	sshra.s32 @!p1 s18, $0x1F;
	p2 =	por !p2, p1  }
0x24: {  	s18 =	sand.u32 @!p1 s20, s18;
	s19 =	simm.s32 @p2 $0xF  }
0x25: {  	p3 =	sgt.s32 @!p1 s17, $0x380;
	s18 =	ssub.s32 @!p1 s19, s18  }
0x26: {  	p3 =	por !p3, p1;
	s19 =	sadd.s32 @!p1 $0xFFFFFFF1, s18  }
0x27: {  	s20 =	sshra.s32 @!p1 s17, $0x1F;
	s18 =	ssub.s32 @!p1 $0x10, s18;
	p2 =	sgt.s32 @!p1 s19, $0x0  }
0x28: {  	s18 =	smul.u32 @!p1 $0x50, s18;
	s19 =	smov.u32 s17;
	s17 =	sand.u32 @!p1 s20, s17  }
0x29: {  	s20 =	smov.u32 s16;
	s19 =	simm.s32 @p3 $0x380;
	p3 =	sgt.s32 @!p1 s16, $0x1E  }
0x2a: {  	p3 =	por !p3, p1;
	s17 =	ssub.s32 @!p1 s19, s17;
	s19 =	sshra.s32 @!p1 s16, $0x1F  }
0x2b: {  	s20 =	simm.s32 @p3 $0x1E;
	s16 =	sand.u32 @!p1 s19, s16;
	s19 =	sadd.s32 @!p1 $0xFFFFFC80, s17  }
0x2c: {  	p2 =	por !p2, p1;
	s16 =	ssub.s32 @!p1 s20, s16;
	p3 =	sgt.s32 @!p1 s19, $0x7F  }
0x2d: {  	s17 =	ssub.s32 @!p1 $0x400, s17;
	s19 =	sadd.s32 @!p1 $0xFFFFFFE2, s16;
	p3 =	por !p3, p1  }
0x2e: {  	s18 =	simm.s32 @!p2 $0x0;
	p2 =	sgt.s32 @!p1 s19, $0x1;
	s17 =	simm.s32 @!p3 $0x0  }
0x2f: {  	s16 =	ssub.s32 @!p1 $0x20, s16;
	p2 =	por !p2, p1;
	s17 =	smul.u32 @!p1 s18, s17  }
0x30: {  	s20 =	smov.u32 s13;
	s19 =	sadd.s32 $0x2, s12;
	s16 =	simm.s32 @!p2 $0x0  }
0x31: {  	p2 =	sgt.s32 s19, $0x1F;
	s16 =	smul.u32 @!p1 s16, s17;
	s17 =	sadd.s32 $0x100, s13  }
0x32: {  	s21 =	smov.u32 s14;
	s20 =	smov.u32 @p2 s17  }
0x33: {  	p0 =	por !p0, !p0;
	s17 =	sadd.s32 $0x10, s14;
	p3 =	sgt.s32 s20, $0x3FF  }
0x34: {  	s22 =	simm.s32 @!p1 $0x2;
	s18 =	smov.u32 s11;
	s21 =	smov.u32 @p3 s17  }
0x35: {  	s11 =	smov.u32 s14;
	s19 =	simm.s32 @p2 $0x0;
	p2 =	sgt.s32 s21, $0xF  }
0x36: {  	s16 =	sshrl.u32 @!p1 s16, $0x1;
	s21 =	smov.u32 @p2 s3;
	p2 =	sne.s32 s15, s7  }
.Ltmp1:
0x37: {  	s16 =	sand.u32 @!p1 $0x3FFFFFF8, s16;
	s20 =	smov.u32 @p3 s1;
	(pc) =	sbr.rel @!p2 .LBB1_6-.Ltmp1, $4  }
0x38: {  	s17 =	smov.u32 s10;
	s10 =	smov.u32 s13;
	_ =	swait.ge @!p1 [sflag:s22], s16  }
0x39: {  	s23 =	ssub.s32 @!p1 $0x0, s16;
	s16 =	smov.u32 s9;
	s9 =	smov.u32 s12  }
0x3a: {  	s12 =	smov.u32 s19;
	s13 =	smov.u32 s20;
	[sflag:s22] =	ssyncset.done @!p1 $0x0  }
0x3b: {  	s15 =	sadd.s32 $0x1, s15;
	[sflag:s22] =	ssyncadd.s32 @!p1 s23;
	s14 =	smov.u32 s21  }
.LBB1_1:
0x3c: {  	p1 =	sge.u32 s15, s6;
	s31 =	sadd.s32 $0xFFFFFFFF, s15  }
0x3d: {  	s19 =	sshll.u32 @!p1 s14, $0x12;
	s20 =	sshll.u32 @!p1 s13, $0x8;
	s21 =	sshll.u32 @!p1 s12, $0x3  }
0x3e: {  	s22 =	sxor.u32 @!p1 $0xFFFFFFFF, s15;
	s19 =	sadd.s32 @!p1 s2, s19;
	s21 =	sand.u32 @!p1 $0xF0, s21  }
0x3f: {  	s19 =	sadd.s32 @!p1 s20, s19;
	s20 =	sshll.u32 @!p1 s22, $0xE;
	s22 =	simm.s32 @!p1 $0x800  }
0x40: {  	s19 =	sadd.s32 @!p1 s21, s19;
	s20 =	sand.u32 @!p1 $0x4000, s20;
	s21 =	simm.s32 @!p1 $0x80  }
0x41: {  	[tilespmem:s20], [sflag:$0x1] =	stream.strided.gather @!p1 [hbm4b:s19+s21], $0x4000, s22, s21, $0x38;
	[tilespmem:$0x10100] =	vst v63  }
0x42: {  	p1 =	sge.u32 s31, s6  }
.Ltmp2:
0x43: {  	_ = 	snop;
	(pc) =	sbr.rel @p1 .LBB1_5-.Ltmp2, $1  }
0x44: {  	_ =	sdelay $0x3  }
0x45: {  	s19 =	simm.s32 $0x1  }
0x46: {  	_ =	swait.ge [sflag:s5], $0x4000;
	s19 =	simm.s32 @!p0 $0x0  }
0x47: {  	[sflag:s5] =	ssyncset.done $0x0;
	s20 =	sshll.u32 s19, $0xE  }
0x48: {  	[sflag:s5] =	ssyncadd.s32 $0xFFFFC000;
	s20 =	sor.u32 $0x40, s20  }
0x49: {  	s19 =	smul.u32 $0x10200, s19;
	v0 =	vld [tilespmem:s20+$0x30]  }
0x4a: {  	v1 =	vld [tilespmem:s20+$0xFFFFFFD0]  }
0x4b: {  	s19 =	sshrl.u32 s19, $0x2;
	v5 =	vld [tilespmem:s20+$0xFFFFFFE0]  }
0x4c: {  	v6 =	vld [tilespmem:s20+$0xFFFFFFF0];
	s22 =	sor.u32 $0x8000, s19  }
0x4d: {  	s31 =	sand.u32 $0x1, s15;
	v4 =	vld [tilespmem:s20+$0x0];
	s21 =	sadd.s32 $0x0, s22  }
0x4e: {  	v3 =	vld [tilespmem:s20+$0x10];
	s19 =	smul.u32 $0x10200, s31;
	[tilespmem:s21+$0x3870 ss:$0x81] =	vst.msk $0xffff, v0  }
0x4f: {  	v2 =	vld [tilespmem:s20+$0x20];
	[tilespmem:s21+$0x810 ss:$0x81] =	vst.msk $0xffff, v1  }
0x50: {  	s19 =	sshrl.u32 s19, $0x2;
	v1 =	vld [tilespmem:s20+$0xFFFFFFC0];
	[tilespmem:s21+$0x1020 ss:$0x81] =	vst.msk $0xffff, v5;
	s20 =	sadd.s32 $0x80, s20  }
0x51: {  	s23 =	simm.s32 $0x4;
	s24 =	simm.s32 $0x8;
	s19 =	sor.u32 $0x8000, s19;
	[tilespmem:s21+$0x1830 ss:$0x81] =	vst.msk $0xffff, v6;
	v0 =	vld [tilespmem:s20+$0x30]  }
.LBB1_3:
0x52: {  	p1 =	sne.s32 s24, $0x1FC;
	v5 =	vld [tilespmem:s20+$0xFFFFFFD0];
	[tilespmem:s21+$0x2040 ss:$0x81] =	vst.msk $0xffff, v4  }
0x53: {  	v6 =	vld [tilespmem:s20+$0xFFFFFFE0];
	[tilespmem:s21+$0x2850 ss:$0x81] =	vst.msk $0xffff, v3  }
0x54: {  	s25 =	sshra.s32 s23, $0x2;
	s23 =	smov.u32 s24;
	v7 =	vld [tilespmem:s20+$0xFFFFFFF0];
	[tilespmem:s21+$0x3060 ss:$0x81] =	vst.msk $0xffff, v2  }
.Ltmp3:
0x55: {  	v4 =	vld [tilespmem:s20+$0x0];
	[tilespmem:s21+$0x0 ss:$0x81] =	vst.msk $0xffff, v1;
	s21 =	sadd.s32 s25, s22;
	(pc) =	sbr.rel @p1 .LBB1_3-.Ltmp3, $4  }
0x56: {  	v3 =	vld [tilespmem:s20+$0x10];
	[tilespmem:s21+$0x3870 ss:$0x81] =	vst.msk $0xffff, v0  }
0x57: {  	[tilespmem:s21+$0x810 ss:$0x81] =	vst.msk $0xffff, v5;
	v2 =	vld [tilespmem:s20+$0x20]  }
0x58: {  	v1 =	vld [tilespmem:s20+$0xFFFFFFC0];
	[tilespmem:s21+$0x1020 ss:$0x81] =	vst.msk $0xffff, v6;
	s20 =	sadd.s32 $0x80, s20  }
0x59: {  	s24 =	sadd.s32 $0x4, s24;
	v0 =	vld [tilespmem:s20+$0x30];
	[tilespmem:s21+$0x1830 ss:$0x81] =	vst.msk $0xffff, v7  }
.Ltmp4:
0x5a: {  	_ = 	snop;
	(pc) =	sbr.rel .LBB1_4-.Ltmp4, $1  }
0x5b: {  	_ =	sdelay $0x3  }
.LBB1_6:
0x5c: {  	_ =	sfence.sel $0x180000  }
0x5d: {  	s1 =	simm.s32 $0x1;
	[bflag:$0x0] =	sbarrier.arrive $0xFFFF  }
0x5e: {  	s31 =	simm.s32 $0x2;
	[sflag:s1] =	ssyncpa.u1 $0x1  }
0x5f: {  	[sflag:s31] =	ssyncpa.u1 $0x1  }
0x60: {  	p0 =	sne.s32 s3, $0x0;
	_ =	strace $0x9000004D  }
0x61: {  	s0 =	sadd.s32 @!p0 $0x100000, s0;
	[bflag:$0x2] =	sbarrier.arrive $0xFFFF  }
0x62: {  	[sflag:s0] =	ssyncadd.tile.s32 @!p0 $0x1;
	_ =	shalt  }
.Lfunc_end1:
_tile_overlayer_lowered:
.L_overlay_start_2:
0x63: {  	(tag) =	ssettag $0x2  }
0x64: {  	s0 =	rddreg [dreg:$0x0];
	s2 =	stileid.u32  }
0x65: {  	s1 =	rddreg [dreg:$0x1];
	p0 =	sne.s32 s2, $0x0  }
0x66: {  	s3 =	rddreg [dreg:$0x2];
	[bflag:$0x3] =	sbarrier.arrive $0xFFFF;
	s2 =	simm.s32 @!p0 $0x1C01  }
0x67: {  	[timem:s3], [sflag:s2] =	dma.local @!p0 [hbm:s0], s1  }
0x68: {  	s0 =	simm.s32 @!p0 $0x1  }
0x69: {  	_ =	swait.ge @!p0 [sflag:s0], s1  }
0x6a: {  	s1 =	ssub.s32 @!p0 $0x0, s1;
	[sflag:s0] =	ssyncset.done @!p0 $0x0  }
0x6b: {  	[sflag:s0] =	ssyncadd.s32 @!p0 s1  }
0x6c: {  	[bflag:$0x3] =	sbarrier.arrive $0xFFFF  }
0x6d: {  	_ =	shalt  }

// kernel: sparse-core-data-format-call.3.cloned.1.call-start
scs
called_computation.3_lowered:
.L_overlay_start_0:
0x0: {  	s1 =	sld [smem:$0x3FD9]  }
0x1: {  	s2 =	sld [smem:$0x3FFE];
	_ =	sdelay $0x1  }
0x2: {  	s3 =	srdreg.scid  }
0x3: {  	s0 =	sand.u32 $0x1, s3  }
0x4: {  	s17 =	sshll.u32 s0, $0xA;
	s1 =	sadd.s32 s2, s1  }
0x5: {  	s1 =	sadd.s32 s1, s17  }
0x6: {  	[smem:$0x3F24] =	sst s1  }
0x7: {  	_ = 	snop  }
0x8: {  	(tm) =	ssettm $0x1  }
0x9: {  	s18 =	sld [smem:$0x3FFB];
	_ =	sdelay $0x3  }
0xa: {  	_ =	strace s18  }
0xb: {  	s1 =	sld [smem:$0x3FFC];
	_ =	sdelay $0x3  }
0xc: {  	_ =	strace s1  }
0xd: {  	s1 =	sld [smem:$0x3FFD];
	_ =	sdelay $0x3  }
0xe: {  	_ =	strace s1  }
0xf: {  	_ =	strace $0x8FFFFFFF  }
0x10: {  	s19 =	sld [smem:$0x3FDB];
	_ =	sdelay $0x1  }
0x11: {  	s20 =	simm.s32 $_scs_section_size  }
0x12: {  	s4 =	simm.s32 $_size__tile_overlayer_lowered;
	s5 =	simm.s32 $_tile_overlayer_lowered  }
0x13: {  	s23 =	simm.s32 $0x1BFF;
	s22 =	sshll.u32 s5, $0x1;
	s1 =	sadd.s32 s20, s19  }
0x14: {  	s6 =	simm.s32 $0x0;
	s21 =	sshll.u32 s4, $0x1;
	s4 =	sadd.s32 s22, s1  }
0x15: {  	[timem:s6], [sflag:s23] =	dma.local [hbm:s4], s21  }
0x16: {  	_ =	swait.ge [sflag:s23], s21  }
0x17: {  	s2 =	ssub.s32 $0x0, s21;
	[sflag:s23] =	ssyncset.done $0x0  }
0x18: {  	[sflag:s23] =	ssyncadd.s32 s2;
	_ =	sdelay $0x1  }
0x19: {  	s24 =	simm.s32 $0x1B8B  }
0x1a: {  	_ =	swait.ge [sflag:s24], $0x1  }
0x1b: {  	[sflag:s24] =	ssyncset.done $0x0  }
0x1c: {  	s26 =	simm.s32 $0x1B8E;
	s25 =	sld [smem:$0x3FFE];
	[sflag:s24] =	ssyncadd.s32 $0xFFFFFFFF  }
0x1d: {  	s27 =	simm.s32 $execute0_lowered;
	[smem:$0x3FD2] =	sst s26  }
0x1e: {  	s4 =	sshll.u32 s27, $0x1;
	_ =	strace $0x80000049;
	[dreg:$0x1] =	wrdreg $0xFFFFFFFF  }
0x1f: {  	s28 =	simm.s32 $_size_execute0_lowered;
	s1 =	sadd.s32 s1, s4;
	[dreg:$0x0] =	wrdreg $0x0  }
0x20: {  	s4 =	sshll.u32 s28, $0x1;
	[dreg:$0x2] =	wrdreg s1  }
0x21: {  	[dreg:$0x3] =	wrdreg s4  }
0x22: {  	[dreg:$0x4] =	wrdreg $0xC0  }
0x23: {  	_ =	task [dreg:s6], $0x5FFFF  }
0x24: {  	[dreg:$0x1] =	wrdreg $0xFFFFFFFF  }
0x25: {  	[dreg:$0x0] =	wrdreg $0x60  }
0x26: {  	[dreg:$0x2] =	wrdreg s25  }
0x27: {  	[dreg:$0x3] =	wrdreg $0x9  }
0x28: {  	_ =	task.clear_ibuf [dreg:s6], $0x4FFFF;
	_ =	strace $0x90000049  }
0x29: {  	s29 =	simm.s32 $0x9;
	_ =	strace $0x8000004B  }
0x2a: {  	_ =	swait.ge [sflag:s29], $0x1  }
0x2b: {  	[sflag:s29] =	ssyncadd.s32 $0xFFFFFFFF  }
0x2c: {  	_ =	strace $0x9000004B  }
0x2d: {  	_ =	sfence  }
0x2e: {  	s30 =	sld [smem:$0x0];
	_ =	sdelay $0x2  }
0x2f: {  	s31 =	sshll.u32 s3, $0xD;
	s3 =	sshrl.u32 s3, $0x2  }
0x30: {  	s2 =	sand.u32 $0x4000, s31;
	s1 =	sadd.s32 s3, s30  }
0x31: {  	s0 =	sor.u32 s2, s0;
	s1 =	sshll.u32 s1, $0x11  }
0x32: {  	s0 =	sor.u32 s1, s0  }
0x33: {  	s0 =	sadd.s32 $0x8F2B, s0  }
0x34: {  	[sflag:s0] =	ssyncadd.remote.s32 $0x1  }
0x35: {  	_ =	sfence.sel $0xFFFF  }
0x36: {  	[dreg:$0x0] =	wrdreg $0xFFFFFFFF;
	(pc) =	sbr.abs _section_cstart, $3  }
0x37: {  	[dreg:$0x1] =	wrdreg $0xFFFFFFFF  }
0x38: {  	_ =	task.clear_ibuf [dreg:s6], $0x2FFFF;
	_ =	strace $0x9FFFFFFF  }
0x39: {  	(tm) =	ssettm $0x7FFFFFFF  }
tec
execute0_lowered:
.L_overlay_start_1:
0x0: {  	(tag) =	ssettag $0x1  }
0x1: {  	s0 =	srdreg.scid;
	s4 =	rddreg [dreg:$0x0]  }
0x2: {  	s7 =	simm.s32 $0x2;
	s14 =	simm.s32 $0x0;
	p0 =	por $0x0, $0x0  }
0x3: {  	s8 =	simm.s32 $0x2000;
	s17 =	simm.s32 $0x0;
	s0 =	sshll.u32 s0, $0x7  }
0x4: {  	s15 =	simm.s32 $0x0;
	s16 =	simm.s32 $0x0;
	s1 =	sand.u32 $0x80, s0  }
0x5: {  	s9 =	simm.s32 $0x0;
	s10 =	simm.s32 $0x0;
	s2 =	ssub.s32 $0x400, s1  }
0x6: {  	s12 =	stileid.u32;
	s13 =	simm.s32 $0x0;
	s3 =	sshrl.u32 s2, $0x7  }
.Ltmp0:
0x7: {  	s2 =	sshrl.u32 s2, $0x8;
	s5 =	sand.u32 $0x1, s3;
	(pc) =	sbr.rel .LBB1_1-.Ltmp0, $4  }
0x8: {  	s0 =	rddreg [dreg:$0x1];
	_ =	strace $0x8000004A;
	s2 =	sadd.s32 s2, s5  }
0x9: {  	s11 =	smov.u32 s1;
	s5 =	simm.s32 $0x1;
	s6 =	smul.u32 $0x6, s2  }
0xa: {  	s3 =	sadd.s32 $0x597000, s4;
	s4 =	sadd.s32 $0x163000, s4;
	[sflag:s5] =	ssyncpa.u1 $0x0  }
0xb: {  	s2 =	stileid.u32;
	[sflag:s7] =	ssyncpa.u1 $0x0;
	s7 =	sor.u32 $0x1, s6  }
.LBB1_7:
0xc: {  	s18 =	sadd.s32 $0x8, s9  }
0xd: {  	s14 =	sadd.s32 $0x20, s10;
	s19 =	smov.u32 s10;
	p2 =	sgt.s32 s18, $0x2F  }
0xe: {  	s19 =	smov.u32 @p2 s14  }
0xf: {  	s20 =	smov.u32 s11;
	s14 =	sadd.s32 $0x100, s11;
	p3 =	sgt.s32 s19, $0x1F  }
0x10: {  	s20 =	smov.u32 @p3 s14  }
0x11: {  	s21 =	smov.u32 s12;
	s14 =	sadd.s32 $0x10, s12;
	p4 =	sgt.s32 s20, $0x3FF  }
0x12: {  	p1 =	slt.u32 s13, $0x2;
	s21 =	smov.u32 @p4 s14  }
0x13: {  	s17 =	smov.u32 s10;
	s18 =	simm.s32 @p2 $0x0;
	p2 =	sgt.s32 s21, $0xF  }
0x14: {  	s22 =	simm.s32 @!p1 $0x2;
	s21 =	smov.u32 @p2 s2;
	p2 =	sne.s32 s13, s7  }
.Ltmp1:
0x15: {  	s15 =	smov.u32 s11;
	_ =	swait.ge @!p1 [sflag:s22], $0x4000;
	(pc) =	sbr.rel @!p2 .LBB1_8-.Ltmp1, $4  }
0x16: {  	s16 =	smov.u32 s12;
	[sflag:s22] =	ssyncset.done @!p1 $0x0;
	s19 =	simm.s32 @p3 $0x0  }
0x17: {  	p0 =	por !p0, !p0;
	[sflag:s22] =	ssyncadd.s32 @!p1 $0xFFFFC000;
	s10 =	smov.u32 s19  }
0x18: {  	s20 =	smov.u32 @p4 s1;
	s14 =	smov.u32 s9;
	s9 =	smov.u32 s18  }
0x19: {  	s11 =	smov.u32 s20;
	s13 =	sadd.s32 $0x1, s13;
	s12 =	smov.u32 s21  }
.LBB1_1:
0x1a: {  	p1 =	sge.u32 s13, s6  }
0x1b: {  	s18 =	sshll.u32 @!p1 s10, $0x7;
	s19 =	sshll.u32 @!p1 s9, $0x4  }
0x1c: {  	s20 =	sand.u32 @!p1 $0x800, s18;
	s19 =	sand.u32 @!p1 $0x800, s19  }
0x1d: {  	s18 =	sand.u32 @!p1 $0x700, s18;
	s19 =	sadd.s32 @!p1 s20, s19;
	s20 =	sshll.u32 @!p1 s9, $0x1  }
0x1e: {  	s31 =	sadd.s32 $0xFFFFFFFF, s13;
	s18 =	sor.u32 @!p1 s18, s19;
	s19 =	sand.u32 @!p1 $0x80, s20  }
0x1f: {  	s22 =	sshrl.u32 @!p1 s9, $0x3;
	s18 =	sor.u32 @!p1 s19, s18;
	s19 =	sshll.u32 @!p1 s12, $0x12  }
0x20: {  	s21 =	sshll.u32 @!p1 s11, $0x8;
	s22 =	sand.u32 @!p1 $0x7, s22;
	s19 =	sadd.s32 @!p1 s3, s19  }
0x21: {  	s20 =	sxor.u32 @!p1 $0xFFFFFFFF, s13;
	s18 =	sshrl.u32 @!p1 s18, $0x4;
	s19 =	sadd.s32 @!p1 s21, s19  }
0x22: {  	s18 =	sand.u32 @!p1 $0xF8, s18;
	s21 =	sand.u32 @!p1 $0x7, s9;
	s19 =	sadd.s32 @!p1 s22, s19  }
0x23: {  	s18 =	sadd.s32 @!p1 s18, s19;
	s19 =	sshll.u32 @!p1 s20, $0xE;
	s20 =	sshll.u32 @!p1 s21, $0x12  }
0x24: {  	s21 =	simm.s32 @!p1 $0x80;
	s19 =	sand.u32 @!p1 $0x4000, s19;
	s20 =	sor.u32 @!p1 $0x8, s20  }
0x25: {  	[tilespmem:s19], [sflag:$0x1] =	stream.strided.gather @!p1 [hbm4b:s18+s20], $0x4000, s21, s20, $0x38;
	[tilespmem:$0x10100] =	vst v63  }
0x26: {  	p1 =	sge.u32 s31, s6  }
.Ltmp2:
0x27: {  	_ = 	snop;
	(pc) =	sbr.rel @p1 .LBB1_7-.Ltmp2, $1  }
0x28: {  	_ =	sdelay $0x3  }
0x29: {  	s18 =	simm.s32 $0x1;
	s20 =	sand.u32 $0x1, s13  }
0x2a: {  	s18 =	simm.s32 @!p0 $0x0;
	s21 =	smul.u32 $0x10200, s20  }
0x2b: {  	_ =	swait.ge [sflag:s5], $0x4000;
	s19 =	smul.u32 $0x10200, s18  }
0x2c: {  	[sflag:s5] =	ssyncset.done $0x0;
	s20 =	sshll.u32 s18, $0xE  }
0x2d: {  	[sflag:s5] =	ssyncadd.s32 $0xFFFFC000;
	s31 =	sshrl.u32 s21, $0x2;
	s19 =	sshrl.u32 s19, $0x2  }
0x2e: {  	s21 =	simm.s32 $0x0;
	s18 =	sor.u32 $0x8000, s31;
	s19 =	sor.u32 $0x8000, s19  }
.LBB1_3:
0x2f: {  	s23 =	simm.s32 $0x0;
	v0 =	vld.msk [tilespmem:s20+$0x0], $0xff;
	s22 =	smov.u32 s19;
	s24 =	smov.u32 s20  }
.LBB1_4:
0x30: {  	s23 =	sadd.s32 $0x2, s23  }
0x31: {  	p1 =	slt.u32 s23, $0x1E  }
.Ltmp3:
0x32: {  	_ = 	snop;
	(pc) =	sbr.rel @p1 .LBB1_4-.Ltmp3, $3  }
0x33: {  	_ =	sdelay $0x1  }
0x34: {  	s24 =	sadd.s32 $0x8, s24;
	[tilespmem:s22+$0x0 ss:$0x810] =	vst.msk $0xff, v0;
	s22 =	sadd.s32 $0x81, s22  }
0x35: {  	v0 =	vld.msk [tilespmem:s24+$0x0], $0xff  }
0x36: {  	s21 =	sadd.s32 $0x1, s21  }
0x37: {  	p1 =	sne.s32 s21, $0x80  }
.Ltmp4:
0x38: {  	_ = 	snop;
	(pc) =	sbr.rel @p1 .LBB1_3-.Ltmp4, $2  }
0x39: {  	_ =	sdelay $0x2  }
0x3a: {  	s19 =	sadd.s32 $0x1, s19;
	s20 =	sadd.s32 $0x80, s20;
	[tilespmem:s22+$0x0 ss:$0x810] =	vst.msk $0xff, v0  }
0x3b: {  	s19 =	sshll.u32 s17, $0xA;
	s20 =	sshll.u32 s15, $0x4  }
0x3c: {  	s28 =	sshll.u32 s17, $0x7;
	s21 =	sshll.u32 s15, $0x1;
	s16 =	smul.u32 $0x18000, s16  }
0x3d: {  	s14 =	sshll.u32 s14, $0xB;
	s30 =	sand.u32 $0x7, s15;
	s19 =	sand.u32 $0x4000, s19  }
0x3e: {  	s20 =	sand.u32 $0x7800, s20;
	s21 =	sand.u32 $0xF0, s21;
	s17 =	sand.u32 $0x300, s28  }
0x3f: {  	s29 =	sand.u32 $0x400, s28;
	s19 =	sadd.s32 s20, s19;
	s17 =	sor.u32 s21, s17  }
.Ltmp5:
0x40: {  	s16 =	sadd.s32 s4, s16;
	s19 =	sor.u32 s29, s19;
	(pc) =	sbr.rel .LBB1_7-.Ltmp5, $4  }
0x41: {  	s17 =	sshrl.u32 s17, $0x4;
	s14 =	sadd.s32 s14, s16;
	s19 =	sshrl.u32 s19, $0x4  }
0x42: {  	s15 =	sshll.u32 s30, $0x12;
	s14 =	sadd.s32 s17, s14;
	s31 =	sand.u32 $0x7C0, s19  }
0x43: {  	s15 =	sor.u32 $0x400, s15;
	s14 =	sadd.s32 s31, s14  }
0x44: {  	[hbm4b:s14+s15] =	stream.strided.scatter [tilespmem:s18], [sflag:$0x2], $0x4000, s8, s15, $0x20;
	[tilespmem:$0x10100] =	vst v63  }
.LBB1_8:
0x45: {  	_ =	sfence.sel $0x180000  }
0x46: {  	s1 =	simm.s32 $0x1;
	[bflag:$0x0] =	sbarrier.arrive $0xFFFF  }
0x47: {  	s31 =	simm.s32 $0x2;
	[sflag:s1] =	ssyncpa.u1 $0x1  }
0x48: {  	[sflag:s31] =	ssyncpa.u1 $0x1  }
0x49: {  	p0 =	sne.s32 s2, $0x0;
	_ =	strace $0x9000004A  }
0x4a: {  	s0 =	sadd.s32 @!p0 $0x100000, s0;
	[bflag:$0x2] =	sbarrier.arrive $0xFFFF  }
0x4b: {  	[sflag:s0] =	ssyncadd.tile.s32 @!p0 $0x1;
	_ =	shalt  }
.Lfunc_end1:
_tile_overlayer_lowered:
.L_overlay_start_2:
0x4c: {  	(tag) =	ssettag $0x2  }
0x4d: {  	s0 =	rddreg [dreg:$0x0];
	s2 =	stileid.u32  }
0x4e: {  	s1 =	rddreg [dreg:$0x1];
	p0 =	sne.s32 s2, $0x0  }
0x4f: {  	s3 =	rddreg [dreg:$0x2];
	[bflag:$0x3] =	sbarrier.arrive $0xFFFF;
	s2 =	simm.s32 @!p0 $0x1C01  }
0x50: {  	[timem:s3], [sflag:s2] =	dma.local @!p0 [hbm:s0], s1  }
0x51: {  	s0 =	simm.s32 @!p0 $0x1  }
0x52: {  	_ =	swait.ge @!p0 [sflag:s0], s1  }
0x53: {  	s1 =	ssub.s32 @!p0 $0x0, s1;
	[sflag:s0] =	ssyncset.done @!p0 $0x0  }
0x54: {  	[sflag:s0] =	ssyncadd.s32 @!p0 s1  }
0x55: {  	[bflag:$0x3] =	sbarrier.arrive $0xFFFF  }
0x56: {  	_ =	shalt  }

// kernel: sparse-core-data-format-call.4.cloned.1.call-start
scs
called_computation.4_lowered:
.L_overlay_start_0:
0x0: {  	s1 =	sld [smem:$0x3FD9]  }
0x1: {  	s2 =	sld [smem:$0x3FFE];
	_ =	sdelay $0x1  }
0x2: {  	s3 =	srdreg.scid  }
0x3: {  	s0 =	sand.u32 $0x1, s3  }
0x4: {  	s17 =	sshll.u32 s0, $0xA;
	s1 =	sadd.s32 s2, s1  }
0x5: {  	s1 =	sadd.s32 s1, s17  }
0x6: {  	[smem:$0x3F24] =	sst s1  }
0x7: {  	_ = 	snop  }
0x8: {  	(tm) =	ssettm $0x1  }
0x9: {  	s18 =	sld [smem:$0x3FFB];
	_ =	sdelay $0x3  }
0xa: {  	_ =	strace s18  }
0xb: {  	s1 =	sld [smem:$0x3FFC];
	_ =	sdelay $0x3  }
0xc: {  	_ =	strace s1  }
0xd: {  	s1 =	sld [smem:$0x3FFD];
	_ =	sdelay $0x3  }
0xe: {  	_ =	strace s1  }
0xf: {  	_ =	strace $0x8FFFFFFF  }
0x10: {  	s19 =	sld [smem:$0x3FDB];
	_ =	sdelay $0x1  }
0x11: {  	s20 =	simm.s32 $_scs_section_size  }
0x12: {  	s4 =	simm.s32 $_size__tile_overlayer_lowered;
	s5 =	simm.s32 $_tile_overlayer_lowered  }
0x13: {  	s23 =	simm.s32 $0x1BFF;
	s22 =	sshll.u32 s5, $0x1;
	s1 =	sadd.s32 s20, s19  }
0x14: {  	s6 =	simm.s32 $0x0;
	s21 =	sshll.u32 s4, $0x1;
	s4 =	sadd.s32 s22, s1  }
0x15: {  	[timem:s6], [sflag:s23] =	dma.local [hbm:s4], s21  }
0x16: {  	_ =	swait.ge [sflag:s23], s21  }
0x17: {  	s2 =	ssub.s32 $0x0, s21;
	[sflag:s23] =	ssyncset.done $0x0  }
0x18: {  	[sflag:s23] =	ssyncadd.s32 s2;
	_ =	sdelay $0x1  }
0x19: {  	s24 =	simm.s32 $0x1B8B  }
0x1a: {  	_ =	swait.ge [sflag:s24], $0x1  }
0x1b: {  	[sflag:s24] =	ssyncset.done $0x0  }
0x1c: {  	s26 =	simm.s32 $0x1B8E;
	s25 =	sld [smem:$0x3FFE];
	[sflag:s24] =	ssyncadd.s32 $0xFFFFFFFF  }
0x1d: {  	s27 =	simm.s32 $execute0_lowered;
	[smem:$0x3FD2] =	sst s26  }
0x1e: {  	s4 =	sshll.u32 s27, $0x1;
	_ =	strace $0x80000046;
	[dreg:$0x1] =	wrdreg $0xFFFFFFFF  }
0x1f: {  	s28 =	simm.s32 $_size_execute0_lowered;
	s1 =	sadd.s32 s1, s4;
	[dreg:$0x0] =	wrdreg $0x0  }
0x20: {  	s4 =	sshll.u32 s28, $0x1;
	[dreg:$0x2] =	wrdreg s1  }
0x21: {  	[dreg:$0x3] =	wrdreg s4  }
0x22: {  	[dreg:$0x4] =	wrdreg $0xC0  }
0x23: {  	_ =	task [dreg:s6], $0x5FFFF  }
0x24: {  	[dreg:$0x1] =	wrdreg $0xFFFFFFFF  }
0x25: {  	[dreg:$0x0] =	wrdreg $0x60  }
0x26: {  	[dreg:$0x2] =	wrdreg s25  }
0x27: {  	[dreg:$0x3] =	wrdreg $0x9  }
0x28: {  	_ =	task.clear_ibuf [dreg:s6], $0x4FFFF;
	_ =	strace $0x90000046  }
0x29: {  	s29 =	simm.s32 $0x9;
	_ =	strace $0x80000048  }
0x2a: {  	_ =	swait.ge [sflag:s29], $0x1  }
0x2b: {  	[sflag:s29] =	ssyncadd.s32 $0xFFFFFFFF  }
0x2c: {  	_ =	strace $0x90000048  }
0x2d: {  	_ =	sfence  }
0x2e: {  	s30 =	sld [smem:$0x0];
	_ =	sdelay $0x2  }
0x2f: {  	s31 =	sshll.u32 s3, $0xD;
	s3 =	sshrl.u32 s3, $0x2  }
0x30: {  	s2 =	sand.u32 $0x4000, s31;
	s1 =	sadd.s32 s3, s30  }
0x31: {  	s0 =	sor.u32 s2, s0;
	s1 =	sshll.u32 s1, $0x11  }
0x32: {  	s0 =	sor.u32 s1, s0  }
0x33: {  	s0 =	sadd.s32 $0x8F2B, s0  }
0x34: {  	[sflag:s0] =	ssyncadd.remote.s32 $0x1  }
0x35: {  	_ =	sfence.sel $0xFFFF  }
0x36: {  	[dreg:$0x0] =	wrdreg $0xFFFFFFFF;
	(pc) =	sbr.abs _section_cstart, $3  }
0x37: {  	[dreg:$0x1] =	wrdreg $0xFFFFFFFF  }
0x38: {  	_ =	task.clear_ibuf [dreg:s6], $0x2FFFF;
	_ =	strace $0x9FFFFFFF  }
0x39: {  	(tm) =	ssettm $0x7FFFFFFF  }
tec
execute0_lowered:
.L_overlay_start_1:
0x0: {  	(tag) =	ssettag $0x1  }
0x1: {  	s0 =	srdreg.scid;
	s3 =	rddreg [dreg:$0x0];
	s5 =	simm.s32 $0x1  }
0x2: {  	s7 =	simm.s32 $0x2;
	s15 =	simm.s32 $0x0;
	p0 =	por $0x0, $0x0  }
0x3: {  	s8 =	simm.s32 $0x2000;
	s13 =	simm.s32 $0x0;
	s1 =	sshll.u32 s0, $0x7  }
0x4: {  	s14 =	simm.s32 $0x0;
	s9 =	simm.s32 $0x0;
	s1 =	sand.u32 $0x80, s1  }
0x5: {  	s0 =	rddreg [dreg:$0x1];
	_ =	strace $0x80000047;
	s6 =	ssub.s32 $0x400, s1  }
.Ltmp0:
0x6: {  	s2 =	sadd.s32 $0x57000, s3;
	s31 =	sshrl.u32 s6, $0x7;
	(pc) =	sbr.rel .LBB1_1-.Ltmp0, $4  }
0x7: {  	s4 =	sadd.s32 $0x257000, s3;
	s6 =	sshrl.u32 s6, $0x8;
	s3 =	sand.u32 $0x1, s31  }
0x8: {  	s11 =	stileid.u32;
	[sflag:s5] =	ssyncpa.u1 $0x0;
	s6 =	sadd.s32 s6, s3  }
0x9: {  	s12 =	simm.s32 $0x0;
	[sflag:s7] =	ssyncpa.u1 $0x0;
	s6 =	sshll.u32 s6, $0x3  }
0xa: {  	s10 =	smov.u32 s1;
	s3 =	stileid.u32;
	s7 =	sor.u32 $0x1, s6  }
.LBB1_4:
0xb: {  	v5 =	vld [tilespmem:s19+$0xFFFFFFD0];
	[tilespmem:s18+$0x2040 ss:$0x81] =	vst.msk $0xffff, v1  }
0xc: {  	v58 =	vld [tilespmem:s19+$0xFFFFFFE0];
	[tilespmem:s18+$0x2850 ss:$0x81] =	vst.msk $0xffff, v2  }
0xd: {  	s20 =	sshra.s32 s20, $0x2;
	v59 =	vld [tilespmem:s19+$0xFFFFFFF0];
	[tilespmem:s18+$0x3060 ss:$0x81] =	vst.msk $0xffff, v3  }
0xe: {  	v60 =	vld [tilespmem:s19+$0x0];
	[tilespmem:s18+$0x0 ss:$0x81] =	vst.msk $0xffff, v0;
	s17 =	sadd.s32 s20, s17  }
0xf: {  	v61 =	vld [tilespmem:s19+$0x10];
	[tilespmem:s17+$0x3870 ss:$0x81] =	vst.msk $0xffff, v4  }
0x10: {  	v62 =	vld [tilespmem:s19+$0x20];
	s26 =	sshll.u32 s15, $0xA;
	s27 =	sshll.u32 s13, $0x3;
	[tilespmem:s17+$0x810 ss:$0x81] =	vst.msk $0xffff, v5  }
0x11: {  	v63 =	vld [tilespmem:s19+$0xFFFFFFC0];
	s29 =	sshll.u32 s15, $0x7;
	s30 =	sand.u32 $0x78, s13;
	s14 =	sshll.u32 s14, $0x11;
	[tilespmem:s17+$0x1020 ss:$0x81] =	vst.msk $0xffff, v58  }
0x12: {  	s18 =	sand.u32 $0xFE000, s26;
	s28 =	sand.u32 $0xFFC00, s27;
	s15 =	sand.u32 $0x380, s29;
	[tilespmem:s17+$0x1830 ss:$0x81] =	vst.msk $0xffff, v59  }
0x13: {  	s31 =	sand.u32 $0x7, s13;
	s18 =	sadd.s32 s28, s18;
	s15 =	sor.u32 s30, s15;
	[tilespmem:s17+$0x2040 ss:$0x81] =	vst.msk $0xffff, v60  }
0x14: {  	s14 =	sadd.s32 s4, s14;
	s18 =	sshrl.u32 s18, $0x3;
	s15 =	sshrl.u32 s15, $0x3;
	[tilespmem:s17+$0x2850 ss:$0x81] =	vst.msk $0xffff, v61  }
0x15: {  	s13 =	sshll.u32 s31, $0x12;
	s18 =	sand.u32 $0x1FF80, s18;
	s14 =	sadd.s32 s15, s14;
	[tilespmem:s17+$0x3060 ss:$0x81] =	vst.msk $0xffff, v62  }
0x16: {  	s13 =	sor.u32 $0x400, s13;
	[tilespmem:s17+$0x0 ss:$0x81] =	vst.msk $0xffff, v63;
	s14 =	sadd.s32 s18, s14  }
0x17: {  	[hbm4b:s14+s13] =	stream.strided.scatter [tilespmem:s16], [sflag:$0x2], $0x4000, s8, s13, $0x20;
	[tilespmem:$0x10100] =	vst v63  }
.LBB1_5:
0x18: {  	s16 =	sadd.s32 $0x80, s9  }
0x19: {  	s13 =	sadd.s32 $0x100, s10;
	s17 =	smov.u32 s10;
	p2 =	sgt.s32 s16, $0x3FF  }
0x1a: {  	s17 =	smov.u32 @p2 s13  }
0x1b: {  	s19 =	smov.u32 s11;
	s13 =	sadd.s32 $0x10, s11;
	p3 =	sgt.s32 s17, $0x3FF  }
0x1c: {  	s19 =	smov.u32 @p3 s13  }
0x1d: {  	s16 =	simm.s32 @p2 $0x0;
	p2 =	sgt.s32 s19, $0xF  }
0x1e: {  	p1 =	slt.u32 s12, $0x2;
	s19 =	smov.u32 @p2 s3;
	p2 =	sne.s32 s12, s7  }
.Ltmp1:
0x1f: {  	s18 =	simm.s32 @!p1 $0x2;
	(pc) =	sbr.rel @!p2 .LBB1_6-.Ltmp1, $4  }
0x20: {  	s15 =	smov.u32 s9;
	s14 =	smov.u32 s11;
	_ =	swait.ge @!p1 [sflag:s18], $0x4000  }
0x21: {  	p0 =	por !p0, !p0;
	[sflag:s18] =	ssyncset.done @!p1 $0x0;
	s9 =	smov.u32 s16  }
0x22: {  	s17 =	smov.u32 @p3 s1;
	s13 =	smov.u32 s10;
	[sflag:s18] =	ssyncadd.s32 @!p1 $0xFFFFC000  }
0x23: {  	s10 =	smov.u32 s17;
	s12 =	sadd.s32 $0x1, s12;
	s11 =	smov.u32 s19  }
.LBB1_1:
0x24: {  	p1 =	sge.u32 s12, s6  }
0x25: {  	s31 =	sadd.s32 $0xFFFFFFFF, s12;
	s16 =	sshll.u32 @!p1 s10, $0x7  }
0x26: {  	s17 =	sxor.u32 @!p1 $0xFFFFFFFF, s12;
	s18 =	sand.u32 @!p1 $0x78, s9;
	s19 =	sand.u32 @!p1 $0x380, s16  }
0x27: {  	s17 =	sshll.u32 @!p1 s17, $0xE;
	s18 =	sor.u32 @!p1 s18, s19;
	s19 =	sshll.u32 @!p1 s11, $0x11  }
0x28: {  	s16 =	sand.u32 @!p1 $0x1FC00, s16;
	s18 =	sshrl.u32 @!p1 s18, $0x3;
	s19 =	sadd.s32 @!p1 s2, s19  }
0x29: {  	s16 =	sadd.s32 @!p1 s9, s16;
	s18 =	sadd.s32 @!p1 s18, s19;
	s19 =	sand.u32 @!p1 $0x7, s9  }
0x2a: {  	s17 =	sand.u32 @!p1 $0x4000, s17;
	s16 =	sand.u32 @!p1 $0x1FF80, s16;
	s19 =	sshll.u32 @!p1 s19, $0x12  }
0x2b: {  	s16 =	sadd.s32 @!p1 s16, s18;
	s18 =	sor.u32 @!p1 $0x400, s19;
	s19 =	simm.s32 @!p1 $0x2000  }
0x2c: {  	[tilespmem:s17], [sflag:$0x1] =	stream.strided.gather @!p1 [hbm4b:s16+s18], $0x4000, s19, s18, $0x38;
	[tilespmem:$0x10100] =	vst v63  }
0x2d: {  	p1 =	sge.u32 s31, s6  }
.Ltmp2:
0x2e: {  	_ = 	snop;
	(pc) =	sbr.rel @p1 .LBB1_5-.Ltmp2, $1  }
0x2f: {  	_ =	sdelay $0x3  }
0x30: {  	s16 =	simm.s32 $0x1  }
0x31: {  	_ =	swait.ge [sflag:s5], $0x4000;
	s16 =	simm.s32 @!p0 $0x0  }
0x32: {  	[sflag:s5] =	ssyncset.done $0x0;
	s17 =	sshll.u32 s16, $0xE  }
0x33: {  	[sflag:s5] =	ssyncadd.s32 $0xFFFFC000;
	s19 =	sor.u32 $0x40, s17  }
0x34: {  	s16 =	smul.u32 $0x10200, s16;
	v0 =	vld [tilespmem:s19+$0x30]  }
0x35: {  	v3 =	vld [tilespmem:s19+$0xFFFFFFD0]  }
0x36: {  	s16 =	sshrl.u32 s16, $0x2;
	v4 =	vld [tilespmem:s19+$0xFFFFFFE0]  }
0x37: {  	v5 =	vld [tilespmem:s19+$0xFFFFFFF0];
	s17 =	sor.u32 $0x8000, s16  }
0x38: {  	s31 =	sand.u32 $0x1, s12;
	v1 =	vld [tilespmem:s19+$0x0];
	s18 =	sadd.s32 $0x0, s17  }
0x39: {  	v2 =	vld [tilespmem:s19+$0x10];
	s16 =	smul.u32 $0x10200, s31;
	[tilespmem:s18+$0x3870 ss:$0x81] =	vst.msk $0xffff, v0  }
0x3a: {  	[tilespmem:s18+$0x810 ss:$0x81] =	vst.msk $0xffff, v3;
	v3 =	vld [tilespmem:s19+$0x20]  }
0x3b: {  	s16 =	sshrl.u32 s16, $0x2;
	v0 =	vld [tilespmem:s19+$0xFFFFFFC0];
	[tilespmem:s18+$0x1020 ss:$0x81] =	vst.msk $0xffff, v4;
	s19 =	sadd.s32 $0x80, s19  }
0x3c: {  	s20 =	simm.s32 $0x4;
	s21 =	simm.s32 $0x8;
	s16 =	sor.u32 $0x8000, s16;
	[tilespmem:s18+$0x1830 ss:$0x81] =	vst.msk $0xffff, v5;
	v4 =	vld [tilespmem:s19+$0x30]  }
.LBB1_3:
0x3d: {  	p1 =	sne.s32 s21, $0x1FC;
	v5 =	vld [tilespmem:s19+$0xFFFFFFD0];
	[tilespmem:s18+$0x2040 ss:$0x81] =	vst.msk $0xffff, v1  }
0x3e: {  	v6 =	vld [tilespmem:s19+$0xFFFFFFE0];
	[tilespmem:s18+$0x2850 ss:$0x81] =	vst.msk $0xffff, v2  }
0x3f: {  	s22 =	sshra.s32 s20, $0x2;
	s20 =	smov.u32 s21;
	v7 =	vld [tilespmem:s19+$0xFFFFFFF0];
	[tilespmem:s18+$0x3060 ss:$0x81] =	vst.msk $0xffff, v3  }
.Ltmp3:
0x40: {  	v1 =	vld [tilespmem:s19+$0x0];
	[tilespmem:s18+$0x0 ss:$0x81] =	vst.msk $0xffff, v0;
	s18 =	sadd.s32 s22, s17;
	(pc) =	sbr.rel @p1 .LBB1_3-.Ltmp3, $4  }
0x41: {  	v2 =	vld [tilespmem:s19+$0x10];
	[tilespmem:s18+$0x3870 ss:$0x81] =	vst.msk $0xffff, v4  }
0x42: {  	[tilespmem:s18+$0x810 ss:$0x81] =	vst.msk $0xffff, v5;
	v3 =	vld [tilespmem:s19+$0x20]  }
0x43: {  	v0 =	vld [tilespmem:s19+$0xFFFFFFC0];
	[tilespmem:s18+$0x1020 ss:$0x81] =	vst.msk $0xffff, v6;
	s19 =	sadd.s32 $0x80, s19  }
0x44: {  	s21 =	sadd.s32 $0x4, s21;
	v4 =	vld [tilespmem:s19+$0x30];
	[tilespmem:s18+$0x1830 ss:$0x81] =	vst.msk $0xffff, v7  }
.Ltmp4:
0x45: {  	_ = 	snop;
	(pc) =	sbr.rel .LBB1_4-.Ltmp4, $1  }
0x46: {  	_ =	sdelay $0x3  }
.LBB1_6:
0x47: {  	_ =	sfence.sel $0x180000  }
0x48: {  	s1 =	simm.s32 $0x1;
	[bflag:$0x0] =	sbarrier.arrive $0xFFFF  }
0x49: {  	s31 =	simm.s32 $0x2;
	[sflag:s1] =	ssyncpa.u1 $0x1  }
0x4a: {  	[sflag:s31] =	ssyncpa.u1 $0x1  }
0x4b: {  	p0 =	sne.s32 s3, $0x0;
	_ =	strace $0x90000047  }
0x4c: {  	s0 =	sadd.s32 @!p0 $0x100000, s0;
	[bflag:$0x2] =	sbarrier.arrive $0xFFFF  }
0x4d: {  	[sflag:s0] =	ssyncadd.tile.s32 @!p0 $0x1;
	_ =	shalt  }
.Lfunc_end1:
_tile_overlayer_lowered:
.L_overlay_start_2:
0x4e: {  	(tag) =	ssettag $0x2  }
0x4f: {  	s0 =	rddreg [dreg:$0x0];
	s2 =	stileid.u32  }
0x50: {  	s1 =	rddreg [dreg:$0x1];
	p0 =	sne.s32 s2, $0x0  }
0x51: {  	s3 =	rddreg [dreg:$0x2];
	[bflag:$0x3] =	sbarrier.arrive $0xFFFF;
	s2 =	simm.s32 @!p0 $0x1C01  }
0x52: {  	[timem:s3], [sflag:s2] =	dma.local @!p0 [hbm:s0], s1  }
0x53: {  	s0 =	simm.s32 @!p0 $0x1  }
0x54: {  	_ =	swait.ge @!p0 [sflag:s0], s1  }
0x55: {  	s1 =	ssub.s32 @!p0 $0x0, s1;
	[sflag:s0] =	ssyncset.done @!p0 $0x0  }
0x56: {  	[sflag:s0] =	ssyncadd.s32 @!p0 s1  }
0x57: {  	[bflag:$0x3] =	sbarrier.arrive $0xFFFF  }
0x58: {  	_ =	shalt  }

// kernel: sparse-core-data-format-call.cloned.1.call-start
scs
called_computation_lowered:
.L_overlay_start_0:
0x0: {  	s1 =	sld [smem:$0x3FD9]  }
0x1: {  	s2 =	sld [smem:$0x3FFE];
	_ =	sdelay $0x1  }
0x2: {  	s3 =	srdreg.scid  }
0x3: {  	s0 =	sand.u32 $0x1, s3  }
0x4: {  	s17 =	sshll.u32 s0, $0xA;
	s1 =	sadd.s32 s2, s1  }
0x5: {  	s1 =	sadd.s32 s1, s17  }
0x6: {  	[smem:$0x3F24] =	sst s1  }
0x7: {  	_ = 	snop  }
0x8: {  	(tm) =	ssettm $0x1  }
0x9: {  	s18 =	sld [smem:$0x3FFB];
	_ =	sdelay $0x3  }
0xa: {  	_ =	strace s18  }
0xb: {  	s1 =	sld [smem:$0x3FFC];
	_ =	sdelay $0x3  }
0xc: {  	_ =	strace s1  }
0xd: {  	s1 =	sld [smem:$0x3FFD];
	_ =	sdelay $0x3  }
0xe: {  	_ =	strace s1  }
0xf: {  	_ =	strace $0x8FFFFFFF  }
0x10: {  	s19 =	sld [smem:$0x3FDB];
	_ =	sdelay $0x1  }
0x11: {  	s20 =	simm.s32 $_scs_section_size  }
0x12: {  	s4 =	simm.s32 $_size__tile_overlayer_lowered;
	s5 =	simm.s32 $_tile_overlayer_lowered  }
0x13: {  	s23 =	simm.s32 $0x1BFF;
	s22 =	sshll.u32 s5, $0x1;
	s1 =	sadd.s32 s20, s19  }
0x14: {  	s6 =	simm.s32 $0x0;
	s21 =	sshll.u32 s4, $0x1;
	s4 =	sadd.s32 s22, s1  }
0x15: {  	[timem:s6], [sflag:s23] =	dma.local [hbm:s4], s21  }
0x16: {  	_ =	swait.ge [sflag:s23], s21  }
0x17: {  	s2 =	ssub.s32 $0x0, s21;
	[sflag:s23] =	ssyncset.done $0x0  }
0x18: {  	[sflag:s23] =	ssyncadd.s32 s2;
	_ =	sdelay $0x1  }
0x19: {  	s24 =	simm.s32 $0x1B8B  }
0x1a: {  	_ =	swait.ge [sflag:s24], $0x1  }
0x1b: {  	[sflag:s24] =	ssyncset.done $0x0  }
0x1c: {  	s26 =	simm.s32 $0x1B8E;
	s25 =	sld [smem:$0x3FFE];
	[sflag:s24] =	ssyncadd.s32 $0xFFFFFFFF  }
0x1d: {  	s27 =	simm.s32 $execute0_lowered;
	[smem:$0x3FD2] =	sst s26  }
0x1e: {  	s4 =	sshll.u32 s27, $0x1;
	_ =	strace $0x80000052;
	[dreg:$0x1] =	wrdreg $0xFFFFFFFF  }
0x1f: {  	s28 =	simm.s32 $_size_execute0_lowered;
	s1 =	sadd.s32 s1, s4;
	[dreg:$0x0] =	wrdreg $0x0  }
0x20: {  	s4 =	sshll.u32 s28, $0x1;
	[dreg:$0x2] =	wrdreg s1  }
0x21: {  	[dreg:$0x3] =	wrdreg s4  }
0x22: {  	[dreg:$0x4] =	wrdreg $0xC0  }
0x23: {  	_ =	task [dreg:s6], $0x5FFFF  }
0x24: {  	[dreg:$0x1] =	wrdreg $0xFFFFFFFF  }
0x25: {  	[dreg:$0x0] =	wrdreg $0x60  }
0x26: {  	[dreg:$0x2] =	wrdreg s25  }
0x27: {  	[dreg:$0x3] =	wrdreg $0x9  }
0x28: {  	_ =	task.clear_ibuf [dreg:s6], $0x4FFFF;
	_ =	strace $0x90000052  }
0x29: {  	s29 =	simm.s32 $0x9;
	_ =	strace $0x80000054  }
0x2a: {  	_ =	swait.ge [sflag:s29], $0x1  }
0x2b: {  	[sflag:s29] =	ssyncadd.s32 $0xFFFFFFFF  }
0x2c: {  	_ =	strace $0x90000054  }
0x2d: {  	_ =	sfence  }
0x2e: {  	s30 =	sld [smem:$0x0];
	_ =	sdelay $0x2  }
0x2f: {  	s31 =	sshll.u32 s3, $0xD;
	s3 =	sshrl.u32 s3, $0x2  }
0x30: {  	s2 =	sand.u32 $0x4000, s31;
	s1 =	sadd.s32 s3, s30  }
0x31: {  	s0 =	sor.u32 s2, s0;
	s1 =	sshll.u32 s1, $0x11  }
0x32: {  	s0 =	sor.u32 s1, s0  }
0x33: {  	s0 =	sadd.s32 $0x8F2B, s0  }
0x34: {  	[sflag:s0] =	ssyncadd.remote.s32 $0x1  }
0x35: {  	_ =	sfence.sel $0xFFFF  }
0x36: {  	[dreg:$0x0] =	wrdreg $0xFFFFFFFF;
	(pc) =	sbr.abs _section_cstart, $3  }
0x37: {  	[dreg:$0x1] =	wrdreg $0xFFFFFFFF  }
0x38: {  	_ =	task.clear_ibuf [dreg:s6], $0x2FFFF;
	_ =	strace $0x9FFFFFFF  }
0x39: {  	(tm) =	ssettm $0x7FFFFFFF  }
tec
execute0_lowered:
.L_overlay_start_1:
0x0: {  	(tag) =	ssettag $0x1  }
0x1: {  	s0 =	srdreg.scid  }
0x2: {  	s3 =	rddreg [dreg:$0x0];
	_ =	strace $0x80000053;
	s5 =	simm.s32 $0x1  }
0x3: {  	s7 =	simm.s32 $0x2;
	s20 =	simm.s32 $0x0;
	p0 =	por $0x0, $0x0  }
0x4: {  	s18 =	simm.s32 $0x0;
	s19 =	simm.s32 $0x0;
	s21 =	simm.s32 $0x0  }
0x5: {  	s9 =	simm.s32 $0x0;
	s10 =	simm.s32 $0x0;
	s1 =	sshll.u32 s0, $0x7  }
0x6: {  	s11 =	simm.s32 $0x0;
	s12 =	simm.s32 $0x0;
	s1 =	sand.u32 $0x80, s1  }
0x7: {  	s13 =	simm.s32 $0x0;
	s14 =	simm.s32 $0x0;
	s6 =	ssub.s32 $0x400, s1  }
.Ltmp0:
0x8: {  	s2 =	sadd.s32 $0x997000, s3;
	s31 =	sshrl.u32 s6, $0x7;
	(pc) =	sbr.rel .LBB1_1-.Ltmp0, $4  }
0x9: {  	s4 =	sadd.s32 $0x1197000, s3;
	s6 =	sshrl.u32 s6, $0x8;
	s3 =	sand.u32 $0x1, s31  }
0xa: {  	s16 =	stileid.u32;
	[sflag:s5] =	ssyncpa.u1 $0x0;
	s6 =	sadd.s32 s6, s3  }
0xb: {  	s17 =	simm.s32 $0x0;
	[sflag:s7] =	ssyncpa.u1 $0x0;
	s6 =	sshll.u32 s6, $0x5  }
0xc: {  	s15 =	smov.u32 s1;
	s3 =	stileid.u32;
	s7 =	sor.u32 $0x1, s6  }
.LBB1_4:
0xd: {  	v5 =	vld [tilespmem:s23+$0xFFFFFFD0];
	[tilespmem:s24+$0x2040 ss:$0x81] =	vst.msk $0xffff, v4  }
0xe: {  	s27 =	sshll.u32 s10, $0xA;
	s28 =	sshll.u32 s11, $0x4;
	s26 =	sshra.s32 s26, $0x2;
	v58 =	vld [tilespmem:s23+$0xFFFFFFE0];
	[tilespmem:s24+$0x2850 ss:$0x81] =	vst.msk $0xffff, v3  }
0xf: {  	p1 =	sgt.s32 s12, $0xF;
	s29 =	sshra.s32 s12, $0x1F;
	s31 =	sshra.s32 s9, $0x1F;
	v59 =	vld [tilespmem:s23+$0xFFFFFFF0];
	[tilespmem:s24+$0x3060 ss:$0x81] =	vst.msk $0xffff, v2  }
0x10: {  	p2 =	sgt.s32 s10, $0x1E;
	p3 =	sgt.s32 s11, $0x380;
	[tilespmem:s24+$0x0 ss:$0x81] =	vst.msk $0xffff, v1;
	v60 =	vld [tilespmem:s23+$0x0];
	s24 =	smul.u32 $0x58000, s12  }
0x11: {  	v61 =	vld [tilespmem:s23+$0x10];
	s27 =	sand.u32 $0x4000, s27;
	s28 =	sand.u32 $0x7800, s28;
	s25 =	sadd.s32 s26, s25  }
0x12: {  	v62 =	vld [tilespmem:s23+$0x20];
	s29 =	sand.u32 s29, s12;
	s31 =	sand.u32 s31, s9;
	s8 =	sadd.s32 s28, s27  }
0x13: {  	v63 =	vld [tilespmem:s23+$0xFFFFFFC0];
	s27 =	sshll.u32 s10, $0x7;
	s28 =	smov.u32 s12;
	s23 =	sadd.s32 s4, s24  }
0x14: {  	s30 =	sand.u32 $0x400, s27;
	s28 =	simm.s32 @!p1 $0xF;
	p1 =	sgt.s32 s9, $0x30  }
0x15: {  	s27 =	sand.u32 $0x300, s27;
	s28 =	ssub.s32 s28, s29;
	s29 =	smov.u32 s9  }
0x16: {  	s26 =	sor.u32 s30, s8;
	s30 =	sshra.s32 s11, $0x1F;
	s8 =	sshra.s32 s10, $0x1F  }
0x17: {  	s0 =	sadd.s32 $0xFFFFFFF1, s28;
	s29 =	simm.s32 @!p1 $0x30;
	s30 =	sand.u32 s30, s11  }
0x18: {  	p1 =	sgt.s32 s0, $0x0;
	s0 =	ssub.s32 s29, s31;
	s29 =	smov.u32 s11  }
0x19: {  	s8 =	sand.u32 s8, s10;
	s28 =	ssub.s32 $0x10, s28;
	s29 =	simm.s32 @!p3 $0x380  }
0x1a: {  	s26 =	sshrl.u32 s26, $0x4;
	s31 =	smov.u32 s10;
	s29 =	ssub.s32 s29, s30  }
0x1b: {  	s26 =	sand.u32 $0x7C0, s26;
	s31 =	simm.s32 @!p2 $0x1E;
	s30 =	sadd.s32 $0xFFFFFC80, s29  }
0x1c: {  	s8 =	ssub.s32 s31, s8;
	s29 =	ssub.s32 $0x400, s29;
	p2 =	sgt.s32 s30, $0x7F  }
0x1d: {  	s28 =	simm.s32 @p1 $0x0;
	s31 =	sadd.s32 $0xFFFFFFE2, s8;
	s29 =	simm.s32 @p2 $0x0  }
0x1e: {  	[tilespmem:s25+$0x3870 ss:$0x81] =	vst.msk $0xffff, v0;
	s8 =	ssub.s32 $0x20, s8;
	p3 =	sgt.s32 s31, $0x1;
	s29 =	smul.u32 s28, s29  }
0x1f: {  	[tilespmem:s25+$0x810 ss:$0x81] =	vst.msk $0xffff, v5;
	s30 =	sshll.u32 s11, $0x1;
	s31 =	sadd.s32 $0xFFFFFFD0, s0;
	s8 =	simm.s32 @p3 $0x0  }
0x20: {  	[tilespmem:s25+$0x1020 ss:$0x81] =	vst.msk $0xffff, v58;
	s0 =	ssub.s32 $0xB0, s0;
	p1 =	sgt.s32 s31, $0x7F;
	s8 =	smul.u32 s8, s29  }
0x21: {  	[tilespmem:s25+$0x1830 ss:$0x81] =	vst.msk $0xffff, v59;
	s31 =	simm.s32 $0x4000;
	s28 =	sand.u32 $0xF0, s30;
	s0 =	simm.s32 @p1 $0x0  }
0x22: {  	[tilespmem:s25+$0x2040 ss:$0x81] =	vst.msk $0xffff, v60;
	s28 =	sor.u32 s28, s27;
	s29 =	sshll.u32 s9, $0xB;
	s0 =	smul.u32 s0, s8  }
0x23: {  	[tilespmem:s25+$0x2850 ss:$0x81] =	vst.msk $0xffff, v61;
	s30 =	sand.u32 $0x7, s11;
	s24 =	sshrl.u32 s28, $0x4;
	s8 =	sadd.s32 s29, s23  }
0x24: {  	[tilespmem:s25+$0x3060 ss:$0x81] =	vst.msk $0xffff, v62;
	s23 =	sshll.u32 s30, $0x12;
	s8 =	sadd.s32 s24, s8;
	s0 =	sshrl.u32 s0, $0x1  }
0x25: {  	[tilespmem:s25+$0x0 ss:$0x81] =	vst.msk $0xffff, v63;
	s23 =	sor.u32 $0x80, s23;
	s8 =	sadd.s32 s26, s8;
	s0 =	sand.u32 $0x3FFFFFFF, s0  }
0x26: {  	[hbm4b:s8+s23] =	stream.strided.scatter [tilespmem:s22], [sflag:$0x2], s0, s31, s23, $0x20;
	[tilespmem:$0x10100] =	vst v63  }
.LBB1_5:
0x27: {  	p1 =	slt.u32 s17, $0x2  }
0x28: {  	s0 =	smov.u32 s21;
	p2 =	sgt.s32 @!p1 s21, $0xF  }
0x29: {  	s22 =	sadd.s32 $0x80, s13;
	s8 =	sshra.s32 @!p1 s21, $0x1F;
	p2 =	por !p2, p1  }
0x2a: {  	s23 =	smov.u32 s14;
	s8 =	sand.u32 @!p1 s8, s21;
	s0 =	simm.s32 @p2 $0xF  }
0x2b: {  	s24 =	smov.u32 s15;
	p3 =	sgt.s32 @!p1 s20, $0x30;
	s0 =	ssub.s32 @!p1 s0, s8  }
0x2c: {  	p3 =	por !p3, p1;
	s21 =	sshra.s32 @!p1 s20, $0x1F;
	s8 =	sadd.s32 @!p1 $0xFFFFFFF1, s0  }
0x2d: {  	s0 =	ssub.s32 @!p1 $0x10, s0;
	p2 =	sgt.s32 @!p1 s8, $0x0;
	s8 =	smov.u32 s20  }
0x2e: {  	s20 =	sand.u32 @!p1 s21, s20;
	s21 =	sshra.s32 @!p1 s19, $0x1F;
	s8 =	simm.s32 @p3 $0x30  }
0x2f: {  	p2 =	por !p2, p1;
	p3 =	sgt.s32 @!p1 s19, $0x380;
	s8 =	ssub.s32 @!p1 s8, s20  }
0x30: {  	p3 =	por !p3, p1;
	s20 =	smov.u32 s19;
	s19 =	sand.u32 @!p1 s21, s19  }
0x31: {  	s21 =	smov.u32 s18;
	s20 =	simm.s32 @p3 $0x380;
	p3 =	sgt.s32 @!p1 s18, $0x1E  }
0x32: {  	p3 =	por !p3, p1;
	s19 =	ssub.s32 @!p1 s20, s19;
	s20 =	sshra.s32 @!p1 s18, $0x1F  }
0x33: {  	s21 =	simm.s32 @p3 $0x1E;
	s18 =	sand.u32 @!p1 s20, s18;
	s20 =	sadd.s32 @!p1 $0xFFFFFC80, s19  }
0x34: {  	s0 =	simm.s32 @!p2 $0x0;
	s18 =	ssub.s32 @!p1 s21, s18;
	p2 =	sgt.s32 @!p1 s20, $0x7F  }
0x35: {  	s19 =	ssub.s32 @!p1 $0x400, s19;
	s20 =	sadd.s32 @!p1 $0xFFFFFFE2, s18;
	p2 =	por !p2, p1  }
0x36: {  	s21 =	sadd.s32 @!p1 $0xFFFFFFD0, s8;
	p3 =	sgt.s32 @!p1 s20, $0x1;
	s19 =	simm.s32 @!p2 $0x0  }
0x37: {  	s18 =	ssub.s32 @!p1 $0x20, s18;
	p2 =	por !p3, p1;
	s0 =	smul.u32 @!p1 s0, s19  }
0x38: {  	s25 =	smov.u32 s16;
	p3 =	sgt.s32 @!p1 s21, $0x7F;
	s18 =	simm.s32 @!p2 $0x0  }
0x39: {  	s8 =	ssub.s32 @!p1 $0xB0, s8;
	p2 =	por !p3, p1;
	s0 =	smul.u32 @!p1 s18, s0  }
0x3a: {  	s8 =	simm.s32 @!p2 $0x0;
	p2 =	sgt.s32 s22, $0xAF;
	s18 =	sadd.s32 $0x2, s14  }
0x3b: {  	p0 =	por !p0, !p0;
	s20 =	smov.u32 s9;
	s23 =	smov.u32 @p2 s18  }
0x3c: {  	s0 =	smul.u32 @!p1 s8, s0;
	p3 =	sgt.s32 s23, $0x1F;
	s8 =	sadd.s32 $0x100, s15  }
0x3d: {  	s9 =	smov.u32 s13;
	s19 =	smov.u32 s11;
	s24 =	smov.u32 @p3 s8  }
0x3e: {  	s22 =	simm.s32 @p2 $0x0;
	s8 =	sadd.s32 $0x10, s16;
	p2 =	sgt.s32 s24, $0x3FF  }
0x3f: {  	s21 =	smov.u32 s12;
	s11 =	smov.u32 s15;
	s25 =	smov.u32 @p2 s8  }
0x40: {  	s12 =	smov.u32 s16;
	s24 =	smov.u32 @p2 s1;
	p2 =	sgt.s32 s25, $0xF  }
0x41: {  	s18 =	smov.u32 s10;
	s25 =	smov.u32 @p2 s3;
	p2 =	sne.s32 s17, s7  }
.Ltmp1:
0x42: {  	s10 =	smov.u32 s14;
	s0 =	sshrl.u32 @!p1 s0, $0x1;
	(pc) =	sbr.rel @!p2 .LBB1_6-.Ltmp1, $4  }
0x43: {  	s23 =	simm.s32 @p3 $0x0;
	s0 =	sand.u32 @!p1 $0x3FFFFFFF, s0;
	s8 =	simm.s32 @!p1 $0x2  }
0x44: {  	s13 =	smov.u32 s22;
	s14 =	smov.u32 s23;
	_ =	swait.ge @!p1 [sflag:s8], s0  }
0x45: {  	s0 =	ssub.s32 @!p1 $0x0, s0;
	s15 =	smov.u32 s24;
	[sflag:s8] =	ssyncset.done @!p1 $0x0  }
0x46: {  	s17 =	sadd.s32 $0x1, s17;
	[sflag:s8] =	ssyncadd.s32 @!p1 s0;
	s16 =	smov.u32 s25  }
.LBB1_1:
0x47: {  	p1 =	sge.u32 s17, s6  }
0x48: {  	s22 =	sshll.u32 @!p1 s14, $0x8;
	s23 =	sshll.u32 @!p1 s13, $0x4  }
0x49: {  	s24 =	sshll.u32 @!p1 s14, $0x7;
	s22 =	sand.u32 @!p1 $0x1000, s22;
	s23 =	sand.u32 @!p1 $0x1800, s23  }
0x4a: {  	s31 =	sadd.s32 $0xFFFFFFFF, s17;
	s22 =	sadd.s32 @!p1 s22, s23;
	s23 =	sand.u32 @!p1 $0x700, s24  }
0x4b: {  	s26 =	sshrl.u32 @!p1 s13, $0x3;
	s22 =	sor.u32 @!p1 s23, s22;
	s23 =	sshll.u32 @!p1 s16, $0x13  }
0x4c: {  	s25 =	sshll.u32 @!p1 s15, $0x9;
	s26 =	sand.u32 @!p1 $0xF, s26;
	s23 =	sadd.s32 @!p1 s2, s23  }
0x4d: {  	s24 =	sxor.u32 @!p1 $0xFFFFFFFF, s17;
	s22 =	sshrl.u32 @!p1 s22, $0x4;
	s23 =	sadd.s32 @!p1 s25, s23  }
0x4e: {  	s22 =	sand.u32 @!p1 $0x1F0, s22;
	s25 =	sand.u32 @!p1 $0x7, s13;
	s23 =	sadd.s32 @!p1 s26, s23  }
0x4f: {  	s22 =	sadd.s32 @!p1 s22, s23;
	s23 =	sshll.u32 @!p1 s24, $0xE;
	s24 =	sshll.u32 @!p1 s25, $0x12  }
0x50: {  	s25 =	simm.s32 @!p1 $0x1000;
	s23 =	sand.u32 @!p1 $0x4000, s23;
	s24 =	sor.u32 @!p1 $0x80, s24  }
0x51: {  	[tilespmem:s23], [sflag:$0x1] =	stream.strided.gather @!p1 [hbm4b:s22+s24], $0x4000, s25, s24, $0x38;
	[tilespmem:$0x10100] =	vst v63  }
0x52: {  	p1 =	sge.u32 s31, s6  }
.Ltmp2:
0x53: {  	_ = 	snop;
	(pc) =	sbr.rel @p1 .LBB1_5-.Ltmp2, $1  }
0x54: {  	_ =	sdelay $0x3  }
0x55: {  	s22 =	simm.s32 $0x1  }
0x56: {  	_ =	swait.ge [sflag:s5], $0x4000;
	s22 =	simm.s32 @!p0 $0x0  }
0x57: {  	[sflag:s5] =	ssyncset.done $0x0;
	s23 =	sshll.u32 s22, $0xE  }
0x58: {  	[sflag:s5] =	ssyncadd.s32 $0xFFFFC000;
	s23 =	sor.u32 $0x40, s23  }
0x59: {  	s22 =	smul.u32 $0x10200, s22;
	v0 =	vld [tilespmem:s23+$0x30]  }
0x5a: {  	v1 =	vld [tilespmem:s23+$0xFFFFFFD0]  }
0x5b: {  	s22 =	sshrl.u32 s22, $0x2;
	v5 =	vld [tilespmem:s23+$0xFFFFFFE0]  }
0x5c: {  	v6 =	vld [tilespmem:s23+$0xFFFFFFF0];
	s25 =	sor.u32 $0x8000, s22  }
0x5d: {  	s31 =	sand.u32 $0x1, s17;
	v4 =	vld [tilespmem:s23+$0x0];
	s24 =	sadd.s32 $0x0, s25  }
0x5e: {  	v3 =	vld [tilespmem:s23+$0x10];
	s22 =	smul.u32 $0x10200, s31;
	[tilespmem:s24+$0x3870 ss:$0x81] =	vst.msk $0xffff, v0  }
0x5f: {  	v2 =	vld [tilespmem:s23+$0x20];
	[tilespmem:s24+$0x810 ss:$0x81] =	vst.msk $0xffff, v1  }
0x60: {  	s22 =	sshrl.u32 s22, $0x2;
	v1 =	vld [tilespmem:s23+$0xFFFFFFC0];
	[tilespmem:s24+$0x1020 ss:$0x81] =	vst.msk $0xffff, v5;
	s23 =	sadd.s32 $0x80, s23  }
0x61: {  	s26 =	simm.s32 $0x4;
	s27 =	simm.s32 $0x8;
	s22 =	sor.u32 $0x8000, s22;
	[tilespmem:s24+$0x1830 ss:$0x81] =	vst.msk $0xffff, v6;
	v0 =	vld [tilespmem:s23+$0x30]  }
.LBB1_3:
0x62: {  	p1 =	sne.s32 s27, $0x1FC;
	v5 =	vld [tilespmem:s23+$0xFFFFFFD0];
	[tilespmem:s24+$0x2040 ss:$0x81] =	vst.msk $0xffff, v4  }
0x63: {  	v6 =	vld [tilespmem:s23+$0xFFFFFFE0];
	[tilespmem:s24+$0x2850 ss:$0x81] =	vst.msk $0xffff, v3  }
0x64: {  	s28 =	sshra.s32 s26, $0x2;
	s26 =	smov.u32 s27;
	v7 =	vld [tilespmem:s23+$0xFFFFFFF0];
	[tilespmem:s24+$0x3060 ss:$0x81] =	vst.msk $0xffff, v2  }
.Ltmp3:
0x65: {  	v4 =	vld [tilespmem:s23+$0x0];
	[tilespmem:s24+$0x0 ss:$0x81] =	vst.msk $0xffff, v1;
	s24 =	sadd.s32 s28, s25;
	(pc) =	sbr.rel @p1 .LBB1_3-.Ltmp3, $4  }
0x66: {  	v3 =	vld [tilespmem:s23+$0x10];
	[tilespmem:s24+$0x3870 ss:$0x81] =	vst.msk $0xffff, v0  }
0x67: {  	[tilespmem:s24+$0x810 ss:$0x81] =	vst.msk $0xffff, v5;
	v2 =	vld [tilespmem:s23+$0x20]  }
0x68: {  	v1 =	vld [tilespmem:s23+$0xFFFFFFC0];
	[tilespmem:s24+$0x1020 ss:$0x81] =	vst.msk $0xffff, v6;
	s23 =	sadd.s32 $0x80, s23  }
0x69: {  	s27 =	sadd.s32 $0x4, s27;
	v0 =	vld [tilespmem:s23+$0x30];
	[tilespmem:s24+$0x1830 ss:$0x81] =	vst.msk $0xffff, v7  }
.Ltmp4:
0x6a: {  	_ = 	snop;
	(pc) =	sbr.rel .LBB1_4-.Ltmp4, $1  }
0x6b: {  	_ =	sdelay $0x3  }
.LBB1_6:
0x6c: {  	_ =	sfence.sel $0x180000  }
0x6d: {  	s0 =	simm.s32 $0x1;
	[bflag:$0x0] =	sbarrier.arrive $0xFFFF  }
0x6e: {  	s31 =	simm.s32 $0x2;
	[sflag:s0] =	ssyncpa.u1 $0x1  }
0x6f: {  	[sflag:s31] =	ssyncpa.u1 $0x1  }
0x70: {  	_ =	strace $0x90000053  }
0x71: {  	[bflag:$0x2] =	sbarrier.arrive $0xFFFF  }
0x72: {  	p0 =	sne.s32 s3, $0x0;
	s0 =	rddreg [dreg:$0x1]  }
0x73: {  	s0 =	sadd.s32 @!p0 $0x100000, s0  }
0x74: {  	[sflag:s0] =	ssyncadd.tile.s32 @!p0 $0x1;
	_ =	shalt  }
.Lfunc_end1:
_tile_overlayer_lowered:
.L_overlay_start_2:
0x75: {  	(tag) =	ssettag $0x2  }
0x76: {  	s0 =	rddreg [dreg:$0x0];
	s2 =	stileid.u32  }
0x77: {  	s1 =	rddreg [dreg:$0x1];
	p0 =	sne.s32 s2, $0x0  }
0x78: {  	s3 =	rddreg [dreg:$0x2];
	[bflag:$0x3] =	sbarrier.arrive $0xFFFF;
	s2 =	simm.s32 @!p0 $0x1C01  }
0x79: {  	[timem:s3], [sflag:s2] =	dma.local @!p0 [hbm:s0], s1  }
0x7a: {  	s0 =	simm.s32 @!p0 $0x1  }
0x7b: {  	_ =	swait.ge @!p0 [sflag:s0], s1  }
0x7c: {  	s1 =	ssub.s32 @!p0 $0x0, s1;
	[sflag:s0] =	ssyncset.done @!p0 $0x0  }
0x7d: {  	[sflag:s0] =	ssyncadd.s32 @!p0 s1  }
0x7e: {  	[bflag:$0x3] =	sbarrier.arrive $0xFFFF  }
0x7f: {  	_ =	shalt  }

</sc_bundles>
